<compile_context>
chip_gen: v7x
topology: tpu7x:2x2x1
jax: 0.10.2.dev20260603
libtpu: 0.0.44.dev20260713+nightly
codegen_flags: <defaults>
</compile_context>

<pallas_src>
import jax
import jax.numpy as jnp
from jax import lax
from jax.experimental import pallas as pl
from jax.experimental.pallas import tpu as pltpu
from jax.experimental.pallas import tpu_sc as plsc

N = 50000
E = 800000
D_IN = 128
DH = 64
HF = 32
C_OUT = 40

R = 5000
GN = N // R
NS = 16
EPT = E // NS
EG = 400
PIPE = 2
NCH = EPT // EG
NP = 50048
RPT = NP // NS
DEG_EG = 1000
DEG_NCH = (EPT // 2) // DEG_EG

_f32 = jnp.float32


_sc_mesh = plsc.VectorSubcoreMesh(core_axis_name="c", subcore_axis_name="s")
_sc_params = pltpu.CompilerParams(use_tc_tiling_on_sc=False)


def _deg_body(ei_hbm, init_hbm, ones_hbm, degA, degB, deg_sh, dst_v, ones_v):
    c = lax.axis_index("c")
    s = lax.axis_index("s")
    pltpu.sync_copy(ones_hbm, ones_v)
    pltpu.sync_copy(init_hbm.at[c], deg_sh.at[pl.ds(s * RPT, RPT)])
    plsc.subcore_barrier()
    base = c * (E // 2) + s * (EPT // 2)

    def body(k, carry):
        pltpu.sync_copy(ei_hbm.at[1, pl.ds(base + k * DEG_EG, DEG_EG)], dst_v)
        pltpu.sync_copy(ones_v, deg_sh.at[dst_v], add=True)
        return carry

    lax.fori_loop(0, DEG_NCH, body, 0)
    plsc.subcore_barrier()

    @pl.when(c == 0)
    def _():
        pltpu.sync_copy(deg_sh.at[pl.ds(s * RPT, RPT)],
                        degA.at[pl.ds(s * RPT, RPT)])

    @pl.when(c == 1)
    def _():
        pltpu.sync_copy(deg_sh.at[pl.ds(s * RPT, RPT)],
                        degB.at[pl.ds(s * RPT, RPT)])


_deg_call = pl.kernel(
    _deg_body,
    out_type=[jax.ShapeDtypeStruct((NP, 1), _f32),
              jax.ShapeDtypeStruct((NP, 1), _f32)],
    mesh=_sc_mesh,
    scratch_types=[
        pltpu.VMEM_SHARED((NP, 1), _f32),
        pltpu.VMEM((DEG_EG,), jnp.int32),
        pltpu.VMEM((DEG_EG, 1), _f32),
    ],
    compiler_params=_sc_params,
)


def _gat_body(ei_hbm, tab_hbm, zr_hbm, outA, outB, s_sh, *bufs):
    c = lax.axis_index("c")
    s = lax.axis_index("s")
    pltpu.sync_copy(zr_hbm, s_sh.at[pl.ds(s * RPT, RPT)])
    plsc.subcore_barrier()
    ebase = s * EPT

    idx_bufs = bufs[0:PIPE]
    dst_bufs = bufs[PIPE:2 * PIPE]
    row_bufs = bufs[2 * PIPE:3 * PIPE]
    sems = bufs[3 * PIPE:4 * PIPE]

    def start_chunk(k, idx_v, dst_v, rows_v, sem):
        pltpu.sync_copy(ei_hbm.at[0, pl.ds(ebase + k * EG, EG)], idx_v)
        pltpu.sync_copy(ei_hbm.at[1, pl.ds(ebase + k * EG, EG)], dst_v)
        pltpu.async_copy(tab_hbm.at[c].at[idx_v], rows_v, sem)

    def drain_scatter(p):
        pltpu.make_async_copy(
            tab_hbm.at[0, pl.ds(0, EG)], row_bufs[p], sems[p]).wait()
        pltpu.sync_copy(row_bufs[p], s_sh.at[dst_bufs[p]], add=True)

    for p in range(PIPE):
        start_chunk(p, idx_bufs[p], dst_bufs[p], row_bufs[p], sems[p])

    MAIN = (NCH - PIPE) // PIPE

    def body(q, carry):
        b = q * PIPE
        for p in range(PIPE):
            drain_scatter(p)
            k2 = b + p + PIPE
            start_chunk(k2, idx_bufs[p], dst_bufs[p], row_bufs[p], sems[p])
        return carry

    lax.fori_loop(0, MAIN, body, 0)
    for kk in range(MAIN * PIPE, NCH):
        p = kk % PIPE
        drain_scatter(p)
        if kk + PIPE < NCH:
            start_chunk(kk + PIPE, idx_bufs[p], dst_bufs[p], row_bufs[p],
                        sems[p])
    plsc.subcore_barrier()

    @pl.when(c == 0)
    def _():
        pltpu.sync_copy(s_sh.at[pl.ds(s * RPT, RPT)],
                        outA.at[pl.ds(s * RPT, RPT)])

    @pl.when(c == 1)
    def _():
        pltpu.sync_copy(s_sh.at[pl.ds(s * RPT, RPT)],
                        outB.at[pl.ds(s * RPT, RPT)])


_gat_call = pl.kernel(
    _gat_body,
    out_type=[jax.ShapeDtypeStruct((NP, HF), _f32),
              jax.ShapeDtypeStruct((NP, HF), _f32)],
    mesh=_sc_mesh,
    scratch_types=(
        [pltpu.VMEM_SHARED((NP, HF), _f32)]
        + [pltpu.VMEM((EG,), jnp.int32) for _ in range(PIPE)]
        + [pltpu.VMEM((EG,), jnp.int32) for _ in range(PIPE)]
        + [pltpu.VMEM((EG, HF), _f32) for _ in range(PIPE)]
        + [pltpu.SemaphoreType.DMA for _ in range(PIPE)]
    ),
    compiler_params=_sc_params,
)



def _k1(x_ref, w0_ref, b0_ref, w1_ref, b1_ref, h2_ref, sm_ref, sq_ref):
    i = pl.program_id(0)
    h = jnp.dot(x_ref[...], w0_ref[...], preferred_element_type=_f32) + b0_ref[...]
    h = jnp.dot(h, w1_ref[...], preferred_element_type=_f32) + b1_ref[...]
    h = jnp.maximum(h, 0.0)
    h2_ref[...] = h

    @pl.when(i == 0)
    def _():
        sm_ref[...] = jnp.zeros_like(sm_ref)
        sq_ref[...] = jnp.zeros_like(sq_ref)

    sm_ref[...] += jnp.sum(h, axis=0, keepdims=True)
    sq_ref[...] += jnp.sum(h * h, axis=0, keepdims=True)


_full = lambda *_: (0, 0)

_k1_call = pl.pallas_call(
    _k1,
    grid=(GN,),
    in_specs=[
        pl.BlockSpec((R, D_IN), lambda i: (i, 0)),
        pl.BlockSpec((D_IN, DH), _full),
        pl.BlockSpec((1, DH), _full),
        pl.BlockSpec((DH, DH), _full),
        pl.BlockSpec((1, DH), _full),
    ],
    out_specs=[
        pl.BlockSpec((R, DH), lambda i: (i, 0)),
        pl.BlockSpec((1, DH), _full),
        pl.BlockSpec((1, DH), _full),
    ],
    out_shape=[
        jax.ShapeDtypeStruct((N, DH), _f32),
        jax.ShapeDtypeStruct((1, DH), _f32),
        jax.ShapeDtypeStruct((1, DH), _f32),
    ],
)


def _bn_scale_shift(sm, sq, g, be):
    mu = sm / N
    var = sq / N - mu * mu
    sc = g * lax.rsqrt(var + 1e-5)
    return sc, be - mu * sc


def _k2(h2_ref, d0_ref, d1_ref, sm_ref, sq_ref, g_ref, be_ref, hp_ref):
    sc, sh = _bn_scale_shift(sm_ref[...], sq_ref[...], g_ref[...], be_ref[...])
    h = h2_ref[...] * sc + sh
    dinv = lax.rsqrt(d0_ref[...] + d1_ref[...])
    hp = h * dinv
    hp_ref[0] = hp[:, :HF]
    hp_ref[1] = hp[:, HF:]


_k2_call = pl.pallas_call(
    _k2,
    grid=(GN,),
    in_specs=[
        pl.BlockSpec((R, DH), lambda i: (i, 0)),
        pl.BlockSpec((R, 1), lambda i: (i, 0)),
        pl.BlockSpec((R, 1), lambda i: (i, 0)),
        pl.BlockSpec((1, DH), _full),
        pl.BlockSpec((1, DH), _full),
        pl.BlockSpec((1, DH), _full),
        pl.BlockSpec((1, DH), _full),
    ],
    out_specs=[pl.BlockSpec((2, R, HF), lambda i: (0, i, 0))],
    out_shape=[jax.ShapeDtypeStruct((2, N, HF), _f32)],
)


def _k3(h2_ref, s0_ref, s1_ref, d0_ref, d1_ref, sm_ref, sq_ref, g_ref, be_ref,
        wc_ref, bc_ref, wa_ref, ba_ref, h4_ref, sm2_ref, sq2_ref):
    i = pl.program_id(0)
    sc, sh = _bn_scale_shift(sm_ref[...], sq_ref[...], g_ref[...], be_ref[...])
    h = h2_ref[...] * sc + sh
    dinv = lax.rsqrt(d0_ref[...] + d1_ref[...])
    hp = h * dinv
    s_all = jnp.concatenate([s0_ref[...], s1_ref[...]], axis=1)
    agg = (s_all + hp) * dinv
    h3 = jnp.maximum(
        jnp.dot(agg, wc_ref[...], preferred_element_type=_f32) + bc_ref[...], 0.0)
    h4 = jnp.maximum(
        jnp.dot(h3, wa_ref[...], preferred_element_type=_f32) + ba_ref[...], 0.0)
    h4_ref[...] = h4

    @pl.when(i == 0)
    def _():
        sm2_ref[...] = jnp.zeros_like(sm2_ref)
        sq2_ref[...] = jnp.zeros_like(sq2_ref)

    sm2_ref[...] += jnp.sum(h4, axis=0, keepdims=True)
    sq2_ref[...] += jnp.sum(h4 * h4, axis=0, keepdims=True)


_k3_call = pl.pallas_call(
    _k3,
    grid=(GN,),
    in_specs=[
        pl.BlockSpec((R, DH), lambda i: (i, 0)),
        pl.BlockSpec((R, HF), lambda i: (i, 0)),
        pl.BlockSpec((R, HF), lambda i: (i, 0)),
        pl.BlockSpec((R, 1), lambda i: (i, 0)),
        pl.BlockSpec((R, 1), lambda i: (i, 0)),
        pl.BlockSpec((1, DH), _full),
        pl.BlockSpec((1, DH), _full),
        pl.BlockSpec((1, DH), _full),
        pl.BlockSpec((1, DH), _full),
        pl.BlockSpec((DH, DH), _full),
        pl.BlockSpec((1, DH), _full),
        pl.BlockSpec((DH, DH), _full),
        pl.BlockSpec((1, DH), _full),
    ],
    out_specs=[
        pl.BlockSpec((R, DH), lambda i: (i, 0)),
        pl.BlockSpec((1, DH), _full),
        pl.BlockSpec((1, DH), _full),
    ],
    out_shape=[
        jax.ShapeDtypeStruct((N, DH), _f32),
        jax.ShapeDtypeStruct((1, DH), _f32),
        jax.ShapeDtypeStruct((1, DH), _f32),
    ],
)


def _k4(h4_ref, sm_ref, sq_ref, g_ref, be_ref, wo_ref, bo_ref, o_ref):
    sc, sh = _bn_scale_shift(sm_ref[...], sq_ref[...], g_ref[...], be_ref[...])
    h = h4_ref[...] * sc + sh
    o_ref[...] = jnp.dot(h, wo_ref[...], preferred_element_type=_f32) + bo_ref[...]


_k4_call = pl.pallas_call(
    _k4,
    grid=(GN,),
    in_specs=[
        pl.BlockSpec((R, DH), lambda i: (i, 0)),
        pl.BlockSpec((1, DH), _full),
        pl.BlockSpec((1, DH), _full),
        pl.BlockSpec((1, DH), _full),
        pl.BlockSpec((1, DH), _full),
        pl.BlockSpec((DH, C_OUT), _full),
        pl.BlockSpec((1, C_OUT), _full),
    ],
    out_specs=[pl.BlockSpec((R, C_OUT), lambda i: (i, 0))],
    out_shape=[jax.ShapeDtypeStruct((N, C_OUT), _f32)],
)




def kernel(x, edge_index, W_pre0, b_pre0, W_pre1, b_pre1, g_bn1, be_bn1,
           W_conv, b_conv, W_aft, b_aft, g_bn2, be_bn2, W_out, b_out):
    deg_init = jnp.concatenate(
        [jnp.ones((1, RPT, 1), _f32), jnp.zeros((1, RPT, 1), _f32)])
    ones_eg = jnp.ones((DEG_EG, 1), _f32)
    zrows = jnp.zeros((RPT, HF), _f32)

    degA, degB = _deg_call(edge_index, deg_init, ones_eg)
    h2, sm1, sq1 = _k1_call(
        x, W_pre0.T, b_pre0.reshape(1, DH), W_pre1.T, b_pre1.reshape(1, DH))
    g1 = g_bn1.reshape(1, DH)
    be1 = be_bn1.reshape(1, DH)
    (hp_tab,) = _k2_call(h2, degA, degB, sm1, sq1, g1, be1)
    sA, sB = _gat_call(edge_index, hp_tab, zrows)
    h4, sm2, sq2 = _k3_call(
        h2, sA, sB, degA, degB, sm1, sq1, g1, be1,
        W_conv.T, b_conv.reshape(1, DH), W_aft.T, b_aft.reshape(1, DH))
    (out,) = _k4_call(
        h4, sm2, sq2, g_bn2.reshape(1, DH), be_bn2.reshape(1, DH),
        W_out.T, b_out.reshape(1, C_OUT))
    return out

# --- scband reference (transcript-rebuilt; emitter-appended) ---
"""Pipeline reference for scband-sgcnmodel-41308995452968 (READ-ONLY COPY).

The authoritative reference and input builder live on the scoring server;
editing this copy changes nothing except your own understanding.
"""

import jax, jax.numpy as jnp
import numpy as np

N = 50000
E = 800000
D_IN = 128
D_H = 64
C = 40


def _bn(x, g, b):
    mu = x.mean(axis=0)
    var = x.var(axis=0)
    return (x - mu) / jnp.sqrt(var + 1e-5) * g + b


def setup_inputs(seed: int = 0) -> dict:
    key = jax.random.key(seed)
    ks = jax.random.split(key, 20)
    inp = {}
    inp["x"] = jax.random.normal(ks[0], (N, D_IN), dtype=jnp.float32)
    inp["edge_index"] = jax.random.randint(ks[1], (2, E), 0, N, dtype=jnp.int32)
    def lin(k, fan_out, fan_in):
        s = 1.0 / np.sqrt(fan_in)
        kw, kb = jax.random.split(k)
        W = jax.random.uniform(kw, (fan_out, fan_in), jnp.float32, -s, s)
        b = jax.random.uniform(kb, (fan_out,), jnp.float32, -s, s)
        return W, b
    inp["W_pre0"], inp["b_pre0"] = lin(ks[2], D_H, D_IN)
    inp["W_pre1"], inp["b_pre1"] = lin(ks[3], D_H, D_H)
    inp["g_bn1"] = jnp.ones((D_H,), jnp.float32)
    inp["be_bn1"] = jnp.zeros((D_H,), jnp.float32)
    inp["W_conv"], inp["b_conv"] = lin(ks[4], D_H, D_H)
    inp["W_aft"], inp["b_aft"] = lin(ks[5], D_H, D_H)
    inp["g_bn2"] = jnp.ones((D_H,), jnp.float32)
    inp["be_bn2"] = jnp.zeros((D_H,), jnp.float32)
    inp["W_out"], inp["b_out"] = lin(ks[6], C, D_H)
    return inp


def reference(x, edge_index, W_pre0, b_pre0, W_pre1, b_pre1, g_bn1, be_bn1,
              W_conv, b_conv, W_aft, b_aft, g_bn2, be_bn2, W_out, b_out):
    # pre-projection stack: Linear -> [Linear, ReLU, BatchNorm1d]
    h = x @ W_pre0.T + b_pre0
    h = h @ W_pre1.T + b_pre1
    h = jax.nn.relu(h)
    h = _bn(h, g_bn1, be_bn1)
    # SGConv (K=1 default): sym-normalized propagation with self loops, then linear
    src = edge_index[0]
    dst = edge_index[1]
    loop = jnp.arange(N, dtype=src.dtype)
    src2 = jnp.concatenate([src, loop])
    dst2 = jnp.concatenate([dst, loop])
    w = jnp.ones(src2.shape[0], dtype=h.dtype)
    deg = jax.ops.segment_sum(w, dst2, num_segments=N)
    dinv = jnp.where(deg > 0, deg ** -0.5, 0.0)
    norm = dinv[src2] * dinv[dst2]
    agg = jnp.zeros((N, D_H), h.dtype).at[dst2].add(norm[:, None] * h[src2])
    h = agg @ W_conv.T + b_conv
    h = jax.nn.relu(h)
    # after-projection stack: [Linear, ReLU, BatchNorm1d]
    h = h @ W_aft.T + b_aft
    h = jax.nn.relu(h)
    h = _bn(h, g_bn2, be_bn2)
    return h @ W_out.T + b_out

if __name__ == "__main__":
    import jax
    _d = setup_inputs()
    print(jax.jit(kernel)(*tuple(_d.values())))

</pallas_src>

<mosaic_0001>
#map = affine_map<(d0, d1) -> (0, 0)>
#map1 = affine_map<(d0, d1) -> (0, 0, 0)>
module attributes {stable_mosaic.version = 14 : i64} {
  func.func @_deg_body(%arg0: i32, %arg1: i32, %arg2: memref<2x800000xi32, #tpu.memory_space<hbm>>, %arg3: memref<2x3128x1xf32, #tpu.memory_space<hbm>>, %arg4: memref<1000x1xf32, #tpu.memory_space<hbm>>, %arg5: memref<50048x1xf32, #tpu.memory_space<hbm>>, %arg6: memref<50048x1xf32, #tpu.memory_space<hbm>>, %arg7: memref<50048x1xf32, #tpu.memory_space<vmem_shared>>, %arg8: memref<1000xi32, #tpu.memory_space<vmem>>, %arg9: memref<1000x1xf32, #tpu.memory_space<vmem>>) attributes {dimension_semantics = [#tpu.dimension_semantics<core_parallel>, #tpu.dimension_semantics<subcore_parallel>], iteration_bounds = array<i64: 2, 16>, scalar_prefetch = 0 : i64, scratch_operands = 3 : i64, tpu.core_type = #tpu.core_type<sc_vector_subcore>, window_params = [{transform_indices = #map}, {transform_indices = #map1}, {transform_indices = #map}, {transform_indices = #map}, {transform_indices = #map}]} {
    "tpu.region"() ({
      %run_scoped3A = tpu.sem_alloc : memref<!tpu.dma_semaphore, #tpu.memory_space<semaphore_mem>>
      tpu.enqueue_dma source(%arg4 : memref<1000x1xf32, #tpu.memory_space<hbm>>) target(%arg9 : memref<1000x1xf32, #tpu.memory_space<vmem>>) target_semaphore(%run_scoped3A : memref<!tpu.dma_semaphore, #tpu.memory_space<semaphore_mem>>)
      tpu.wait_dma2 semaphore(%run_scoped3A : memref<!tpu.dma_semaphore, #tpu.memory_space<semaphore_mem>>) src(%arg4 : memref<1000x1xf32, #tpu.memory_space<hbm>>) dst(%arg9 : memref<1000x1xf32, #tpu.memory_space<vmem>>)
      tpu.yield
    }) : () -> ()
    %mul3A = arith.constant 3128 : i32
    %mul3A_0 = arith.muli %arg1, %mul3A : i32
    "tpu.region"() ({
      %run_scoped3A = tpu.sem_alloc : memref<!tpu.dma_semaphore, #tpu.memory_space<semaphore_mem>>
      %dma_start3A = arith.constant 0 : i32
      %dma_start3A_18 = tpu.memref_slice %arg7[%mul3A_0, %dma_start3A] : memref<50048x1xf32, #tpu.memory_space<vmem_shared>> -> memref<3128x1xf32, #tpu.memory_space<vmem_shared>>
      %dma_start3A_19 = arith.constant 0 : i32
      %dma_start3A_20 = arith.constant 0 : i32
      %dma_start3A_21 = tpu.memref_slice %arg3[%arg0, %dma_start3A_19, %dma_start3A_20] : memref<2x3128x1xf32, #tpu.memory_space<hbm>> -> memref<1x3128x1xf32, #tpu.memory_space<hbm>>
      %dma_start3A_22 = tpu.memref_squeeze %dma_start3A_21 : memref<1x3128x1xf32, #tpu.memory_space<hbm>> -> memref<3128x1xf32, #tpu.memory_space<hbm>>
      tpu.enqueue_dma source(%dma_start3A_22 : memref<3128x1xf32, #tpu.memory_space<hbm>>) target(%dma_start3A_18 : memref<3128x1xf32, #tpu.memory_space<vmem_shared>>) target_semaphore(%run_scoped3A : memref<!tpu.dma_semaphore, #tpu.memory_space<semaphore_mem>>)
      %dma_wait3A = arith.constant 0 : i32
      %dma_wait3A_23 = tpu.memref_slice %arg7[%mul3A_0, %dma_wait3A] : memref<50048x1xf32, #tpu.memory_space<vmem_shared>> -> memref<3128x1xf32, #tpu.memory_space<vmem_shared>>
      %dma_wait3A_24 = arith.constant 0 : i32
      %dma_wait3A_25 = arith.constant 0 : i32
      %dma_wait3A_26 = tpu.memref_slice %arg3[%arg0, %dma_wait3A_24, %dma_wait3A_25] : memref<2x3128x1xf32, #tpu.memory_space<hbm>> -> memref<1x3128x1xf32, #tpu.memory_space<hbm>>
      %dma_wait3A_27 = tpu.memref_squeeze %dma_wait3A_26 : memref<1x3128x1xf32, #tpu.memory_space<hbm>> -> memref<3128x1xf32, #tpu.memory_space<hbm>>
      tpu.wait_dma2 semaphore(%run_scoped3A : memref<!tpu.dma_semaphore, #tpu.memory_space<semaphore_mem>>) src(%dma_wait3A_27 : memref<3128x1xf32, #tpu.memory_space<hbm>>) dst(%dma_wait3A_23 : memref<3128x1xf32, #tpu.memory_space<vmem_shared>>)
      tpu.yield
    }) : () -> ()
    %barrier3A = arith.constant 0 : index
    tpu.barrier barrier_id(%barrier3A)
    %mul3A_1 = arith.constant 400000 : i32
    %mul3A_2 = arith.muli %arg0, %mul3A_1 : i32
    %mul3A_3 = arith.constant 25000 : i32
    %mul3A_4 = arith.muli %arg1, %mul3A_3 : i32
    %add3A = arith.addi %mul3A_2, %mul3A_4 : i32
    %scan3A = arith.constant 0 : i32
    %scan3A_5 = arith.constant 0 : i32
    %scan3A_6 = arith.constant 25 : i32
    %scan3A_7 = arith.addi %scan3A_5, %scan3A_6 : i32
    %scan3A_8 = arith.constant 1 : i32
    scf.for %scan3A_18 = %scan3A_5 to %scan3A_7 step %scan3A_8  : i32 {
      %mul3A_19 = arith.constant 1000 : i32
      %mul3A_20 = arith.muli %scan3A_18, %mul3A_19 : i32
      %add3A_21 = arith.addi %add3A, %mul3A_20 : i32
      %run_scoped3A = arith.constant 1 : i32
      "tpu.region"() ({
        %run_scoped3A_22 = tpu.sem_alloc : memref<!tpu.dma_semaphore, #tpu.memory_space<semaphore_mem>>
        %dma_start3A = tpu.memref_slice %arg2[%run_scoped3A, %add3A_21] : memref<2x800000xi32, #tpu.memory_space<hbm>> -> memref<1x1000xi32, #tpu.memory_space<hbm>>
        %dma_start3A_23 = tpu.memref_squeeze %dma_start3A : memref<1x1000xi32, #tpu.memory_space<hbm>> -> memref<1000xi32, #tpu.memory_space<hbm>>
        %dma_start3A_24 = tpu.memref_slice %arg2[%run_scoped3A, %add3A_21] : memref<2x800000xi32, #tpu.memory_space<hbm>> -> memref<1x1000xi32, #tpu.memory_space<hbm>>
        %dma_start3A_25 = tpu.memref_squeeze %dma_start3A_24 : memref<1x1000xi32, #tpu.memory_space<hbm>> -> memref<1000xi32, #tpu.memory_space<hbm>>
        tpu.enqueue_dma source(%dma_start3A_25 : memref<1000xi32, #tpu.memory_space<hbm>>) target(%arg8 : memref<1000xi32, #tpu.memory_space<vmem>>) target_semaphore(%run_scoped3A_22 : memref<!tpu.dma_semaphore, #tpu.memory_space<semaphore_mem>>)
        %dma_wait3A = tpu.memref_slice %arg2[%run_scoped3A, %add3A_21] : memref<2x800000xi32, #tpu.memory_space<hbm>> -> memref<1x1000xi32, #tpu.memory_space<hbm>>
        %dma_wait3A_26 = tpu.memref_squeeze %dma_wait3A : memref<1x1000xi32, #tpu.memory_space<hbm>> -> memref<1000xi32, #tpu.memory_space<hbm>>
        %dma_wait3A_27 = tpu.memref_slice %arg2[%run_scoped3A, %add3A_21] : memref<2x800000xi32, #tpu.memory_space<hbm>> -> memref<1x1000xi32, #tpu.memory_space<hbm>>
        %dma_wait3A_28 = tpu.memref_squeeze %dma_wait3A_27 : memref<1x1000xi32, #tpu.memory_space<hbm>> -> memref<1000xi32, #tpu.memory_space<hbm>>
        tpu.wait_dma2 semaphore(%run_scoped3A_22 : memref<!tpu.dma_semaphore, #tpu.memory_space<semaphore_mem>>) src(%dma_wait3A_28 : memref<1000xi32, #tpu.memory_space<hbm>>) dst(%arg8 : memref<1000xi32, #tpu.memory_space<vmem>>)
        tpu.yield
      }) : () -> ()
      "tpu.region"() ({
        %run_scoped3A_22 = tpu.sem_alloc : memref<!tpu.dma_semaphore, #tpu.memory_space<semaphore_mem>>
        %dma_start3A = arith.constant 0 : i32
        %dma_start3A_23 = arith.constant 0 : i32
        %dma_start3A_24 = tpu.memref_slice %arg7[%dma_start3A, %dma_start3A_23] : memref<50048x1xf32, #tpu.memory_space<vmem_shared>> -> memref<50048x1xf32, #tpu.memory_space<vmem_shared>>
        tpu.enqueue_indirect_dma source(%arg9 : memref<1000x1xf32, #tpu.memory_space<vmem>>) target(%dma_start3A_24 : memref<50048x1xf32, #tpu.memory_space<vmem_shared>>) offsets(%arg8 : memref<1000xi32, #tpu.memory_space<vmem>>) semaphore(%run_scoped3A_22 : memref<!tpu.dma_semaphore, #tpu.memory_space<semaphore_mem>>) {add = true}
        %dma_wait3A = arith.constant 0 : i32
        %dma_wait3A_25 = arith.constant 0 : i32
        %dma_wait3A_26 = tpu.memref_slice %arg7[%dma_wait3A, %dma_wait3A_25] : memref<50048x1xf32, #tpu.memory_space<vmem_shared>> -> memref<50048x1xf32, #tpu.memory_space<vmem_shared>>
        tpu.wait_indirect_dma semaphore(%run_scoped3A_22 : memref<!tpu.dma_semaphore, #tpu.memory_space<semaphore_mem>>) src(%arg9 : memref<1000x1xf32, #tpu.memory_space<vmem>>) dst(%dma_wait3A_26 : memref<50048x1xf32, #tpu.memory_space<vmem_shared>>)
        tpu.yield
      }) : () -> ()
    }
    %scan3A_9 = arith.constant 25 : i32
    %barrier3A_10 = arith.constant 0 : index
    tpu.barrier barrier_id(%barrier3A_10)
    %eq3A = arith.constant 0 : i32
    %eq3A_11 = arith.cmpi eq, %arg0, %eq3A : i32
    %convert_element_type3A = arith.extui %eq3A_11 : i1 to i32
    %cond3A = arith.constant 0 : i32
    %cond3A_12 = arith.cmpi ne, %convert_element_type3A, %cond3A : i32
    scf.if %cond3A_12 {
      %mul3A_18 = arith.constant 3128 : i32
      %mul3A_19 = arith.muli %arg1, %mul3A_18 : i32
      %mul3A_20 = arith.constant 3128 : i32
      %mul3A_21 = arith.muli %arg1, %mul3A_20 : i32
      "tpu.region"() ({
        %run_scoped3A = tpu.sem_alloc : memref<!tpu.dma_semaphore, #tpu.memory_space<semaphore_mem>>
        %dma_start3A = arith.constant 0 : i32
        %dma_start3A_22 = tpu.memref_slice %arg5[%mul3A_21, %dma_start3A] : memref<50048x1xf32, #tpu.memory_space<hbm>> -> memref<3128x1xf32, #tpu.memory_space<hbm>>
        %dma_start3A_23 = arith.constant 0 : i32
        %dma_start3A_24 = tpu.memref_slice %arg7[%mul3A_19, %dma_start3A_23] : memref<50048x1xf32, #tpu.memory_space<vmem_shared>> -> memref<3128x1xf32, #tpu.memory_space<vmem_shared>>
        tpu.enqueue_dma source(%dma_start3A_24 : memref<3128x1xf32, #tpu.memory_space<vmem_shared>>) target(%dma_start3A_22 : memref<3128x1xf32, #tpu.memory_space<hbm>>) target_semaphore(%run_scoped3A : memref<!tpu.dma_semaphore, #tpu.memory_space<semaphore_mem>>)
        %dma_wait3A = arith.constant 0 : i32
        %dma_wait3A_25 = tpu.memref_slice %arg5[%mul3A_21, %dma_wait3A] : memref<50048x1xf32, #tpu.memory_space<hbm>> -> memref<3128x1xf32, #tpu.memory_space<hbm>>
        %dma_wait3A_26 = arith.constant 0 : i32
        %dma_wait3A_27 = tpu.memref_slice %arg7[%mul3A_19, %dma_wait3A_26] : memref<50048x1xf32, #tpu.memory_space<vmem_shared>> -> memref<3128x1xf32, #tpu.memory_space<vmem_shared>>
        tpu.wait_dma2 semaphore(%run_scoped3A : memref<!tpu.dma_semaphore, #tpu.memory_space<semaphore_mem>>) src(%dma_wait3A_27 : memref<3128x1xf32, #tpu.memory_space<vmem_shared>>) dst(%dma_wait3A_25 : memref<3128x1xf32, #tpu.memory_space<hbm>>)
        tpu.yield
      }) : () -> ()
    } else {
    }
    %eq3A_13 = arith.constant 1 : i32
    %eq3A_14 = arith.cmpi eq, %arg0, %eq3A_13 : i32
    %convert_element_type3A_15 = arith.extui %eq3A_14 : i1 to i32
    %cond3A_16 = arith.constant 0 : i32
    %cond3A_17 = arith.cmpi ne, %convert_element_type3A_15, %cond3A_16 : i32
    scf.if %cond3A_17 {
      %mul3A_18 = arith.constant 3128 : i32
      %mul3A_19 = arith.muli %arg1, %mul3A_18 : i32
      %mul3A_20 = arith.constant 3128 : i32
      %mul3A_21 = arith.muli %arg1, %mul3A_20 : i32
      "tpu.region"() ({
        %run_scoped3A = tpu.sem_alloc : memref<!tpu.dma_semaphore, #tpu.memory_space<semaphore_mem>>
        %dma_start3A = arith.constant 0 : i32
        %dma_start3A_22 = tpu.memref_slice %arg6[%mul3A_21, %dma_start3A] : memref<50048x1xf32, #tpu.memory_space<hbm>> -> memref<3128x1xf32, #tpu.memory_space<hbm>>
        %dma_start3A_23 = arith.constant 0 : i32
        %dma_start3A_24 = tpu.memref_slice %arg7[%mul3A_19, %dma_start3A_23] : memref<50048x1xf32, #tpu.memory_space<vmem_shared>> -> memref<3128x1xf32, #tpu.memory_space<vmem_shared>>
        tpu.enqueue_dma source(%dma_start3A_24 : memref<3128x1xf32, #tpu.memory_space<vmem_shared>>) target(%dma_start3A_22 : memref<3128x1xf32, #tpu.memory_space<hbm>>) target_semaphore(%run_scoped3A : memref<!tpu.dma_semaphore, #tpu.memory_space<semaphore_mem>>)
        %dma_wait3A = arith.constant 0 : i32
        %dma_wait3A_25 = tpu.memref_slice %arg6[%mul3A_21, %dma_wait3A] : memref<50048x1xf32, #tpu.memory_space<hbm>> -> memref<3128x1xf32, #tpu.memory_space<hbm>>
        %dma_wait3A_26 = arith.constant 0 : i32
        %dma_wait3A_27 = tpu.memref_slice %arg7[%mul3A_19, %dma_wait3A_26] : memref<50048x1xf32, #tpu.memory_space<vmem_shared>> -> memref<3128x1xf32, #tpu.memory_space<vmem_shared>>
        tpu.wait_dma2 semaphore(%run_scoped3A : memref<!tpu.dma_semaphore, #tpu.memory_space<semaphore_mem>>) src(%dma_wait3A_27 : memref<3128x1xf32, #tpu.memory_space<vmem_shared>>) dst(%dma_wait3A_25 : memref<3128x1xf32, #tpu.memory_space<hbm>>)
        tpu.yield
      }) : () -> ()
    } else {
    }
    return
  }
}

#map = affine_map<(d0, d1) -> (0, 0)>
#map1 = affine_map<(d0, d1) -> (0, 0, 0)>
module attributes {stable_mosaic.version = 14 : i64} {
  func.func @_gat_body(%arg0: i32, %arg1: i32, %arg2: memref<2x800000xi32, #tpu.memory_space<hbm>>, %arg3: memref<2x50000x32xf32, #tpu.memory_space<hbm>>, %arg4: memref<3128x32xf32, #tpu.memory_space<hbm>>, %arg5: memref<50048x32xf32, #tpu.memory_space<hbm>>, %arg6: memref<50048x32xf32, #tpu.memory_space<hbm>>, %arg7: memref<50048x32xf32, #tpu.memory_space<vmem_shared>>, %arg8: memref<400xi32, #tpu.memory_space<vmem>>, %arg9: memref<400xi32, #tpu.memory_space<vmem>>, %arg10: memref<400xi32, #tpu.memory_space<vmem>>, %arg11: memref<400xi32, #tpu.memory_space<vmem>>, %arg12: memref<400x32xf32, #tpu.memory_space<vmem>>, %arg13: memref<400x32xf32, #tpu.memory_space<vmem>>, %arg14: memref<!tpu.dma_semaphore, #tpu.memory_space<semaphore_mem>>, %arg15: memref<!tpu.dma_semaphore, #tpu.memory_space<semaphore_mem>>) attributes {dimension_semantics = [#tpu.dimension_semantics<core_parallel>, #tpu.dimension_semantics<subcore_parallel>], iteration_bounds = array<i64: 2, 16>, scalar_prefetch = 0 : i64, scratch_operands = 9 : i64, tpu.core_type = #tpu.core_type<sc_vector_subcore>, window_params = [{transform_indices = #map}, {transform_indices = #map1}, {transform_indices = #map}, {transform_indices = #map}, {transform_indices = #map}]} {
    %mul3A = arith.constant 3128 : i32
    %mul3A_0 = arith.muli %arg1, %mul3A : i32
    "tpu.region"() ({
      %run_scoped3A_78 = tpu.sem_alloc : memref<!tpu.dma_semaphore, #tpu.memory_space<semaphore_mem>>
      %dma_start3A_79 = arith.constant 0 : i32
      %dma_start3A_80 = tpu.memref_slice %arg7[%mul3A_0, %dma_start3A_79] : memref<50048x32xf32, #tpu.memory_space<vmem_shared>> -> memref<3128x32xf32, #tpu.memory_space<vmem_shared>>
      tpu.enqueue_dma source(%arg4 : memref<3128x32xf32, #tpu.memory_space<hbm>>) target(%dma_start3A_80 : memref<3128x32xf32, #tpu.memory_space<vmem_shared>>) target_semaphore(%run_scoped3A_78 : memref<!tpu.dma_semaphore, #tpu.memory_space<semaphore_mem>>)
      %dma_wait3A_81 = arith.constant 0 : i32
      %dma_wait3A_82 = tpu.memref_slice %arg7[%mul3A_0, %dma_wait3A_81] : memref<50048x32xf32, #tpu.memory_space<vmem_shared>> -> memref<3128x32xf32, #tpu.memory_space<vmem_shared>>
      tpu.wait_dma2 semaphore(%run_scoped3A_78 : memref<!tpu.dma_semaphore, #tpu.memory_space<semaphore_mem>>) src(%arg4 : memref<3128x32xf32, #tpu.memory_space<hbm>>) dst(%dma_wait3A_82 : memref<3128x32xf32, #tpu.memory_space<vmem_shared>>)
      tpu.yield
    }) : () -> ()
    %barrier3A = arith.constant 0 : index
    tpu.barrier barrier_id(%barrier3A)
    %mul3A_1 = arith.constant 50000 : i32
    %mul3A_2 = arith.muli %arg1, %mul3A_1 : i32
    %add3A = arith.constant 0 : i32
    %add3A_3 = arith.addi %mul3A_2, %add3A : i32
    %run_scoped3A = arith.constant 0 : i32
    "tpu.region"() ({
      %run_scoped3A_78 = tpu.sem_alloc : memref<!tpu.dma_semaphore, #tpu.memory_space<semaphore_mem>>
      %dma_start3A_79 = tpu.memref_slice %arg2[%run_scoped3A, %add3A_3] : memref<2x800000xi32, #tpu.memory_space<hbm>> -> memref<1x400xi32, #tpu.memory_space<hbm>>
      %dma_start3A_80 = tpu.memref_squeeze %dma_start3A_79 : memref<1x400xi32, #tpu.memory_space<hbm>> -> memref<400xi32, #tpu.memory_space<hbm>>
      %dma_start3A_81 = tpu.memref_slice %arg2[%run_scoped3A, %add3A_3] : memref<2x800000xi32, #tpu.memory_space<hbm>> -> memref<1x400xi32, #tpu.memory_space<hbm>>
      %dma_start3A_82 = tpu.memref_squeeze %dma_start3A_81 : memref<1x400xi32, #tpu.memory_space<hbm>> -> memref<400xi32, #tpu.memory_space<hbm>>
      tpu.enqueue_dma source(%dma_start3A_82 : memref<400xi32, #tpu.memory_space<hbm>>) target(%arg8 : memref<400xi32, #tpu.memory_space<vmem>>) target_semaphore(%run_scoped3A_78 : memref<!tpu.dma_semaphore, #tpu.memory_space<semaphore_mem>>)
      %dma_wait3A_83 = tpu.memref_slice %arg2[%run_scoped3A, %add3A_3] : memref<2x800000xi32, #tpu.memory_space<hbm>> -> memref<1x400xi32, #tpu.memory_space<hbm>>
      %dma_wait3A_84 = tpu.memref_squeeze %dma_wait3A_83 : memref<1x400xi32, #tpu.memory_space<hbm>> -> memref<400xi32, #tpu.memory_space<hbm>>
      %dma_wait3A_85 = tpu.memref_slice %arg2[%run_scoped3A, %add3A_3] : memref<2x800000xi32, #tpu.memory_space<hbm>> -> memref<1x400xi32, #tpu.memory_space<hbm>>
      %dma_wait3A_86 = tpu.memref_squeeze %dma_wait3A_85 : memref<1x400xi32, #tpu.memory_space<hbm>> -> memref<400xi32, #tpu.memory_space<hbm>>
      tpu.wait_dma2 semaphore(%run_scoped3A_78 : memref<!tpu.dma_semaphore, #tpu.memory_space<semaphore_mem>>) src(%dma_wait3A_86 : memref<400xi32, #tpu.memory_space<hbm>>) dst(%arg8 : memref<400xi32, #tpu.memory_space<vmem>>)
      tpu.yield
    }) : () -> ()
    %add3A_4 = arith.constant 0 : i32
    %add3A_5 = arith.addi %mul3A_2, %add3A_4 : i32
    %run_scoped3A_6 = arith.constant 1 : i32
    "tpu.region"() ({
      %run_scoped3A_78 = tpu.sem_alloc : memref<!tpu.dma_semaphore, #tpu.memory_space<semaphore_mem>>
      %dma_start3A_79 = tpu.memref_slice %arg2[%run_scoped3A_6, %add3A_5] : memref<2x800000xi32, #tpu.memory_space<hbm>> -> memref<1x400xi32, #tpu.memory_space<hbm>>
      %dma_start3A_80 = tpu.memref_squeeze %dma_start3A_79 : memref<1x400xi32, #tpu.memory_space<hbm>> -> memref<400xi32, #tpu.memory_space<hbm>>
      %dma_start3A_81 = tpu.memref_slice %arg2[%run_scoped3A_6, %add3A_5] : memref<2x800000xi32, #tpu.memory_space<hbm>> -> memref<1x400xi32, #tpu.memory_space<hbm>>
      %dma_start3A_82 = tpu.memref_squeeze %dma_start3A_81 : memref<1x400xi32, #tpu.memory_space<hbm>> -> memref<400xi32, #tpu.memory_space<hbm>>
      tpu.enqueue_dma source(%dma_start3A_82 : memref<400xi32, #tpu.memory_space<hbm>>) target(%arg10 : memref<400xi32, #tpu.memory_space<vmem>>) target_semaphore(%run_scoped3A_78 : memref<!tpu.dma_semaphore, #tpu.memory_space<semaphore_mem>>)
      %dma_wait3A_83 = tpu.memref_slice %arg2[%run_scoped3A_6, %add3A_5] : memref<2x800000xi32, #tpu.memory_space<hbm>> -> memref<1x400xi32, #tpu.memory_space<hbm>>
      %dma_wait3A_84 = tpu.memref_squeeze %dma_wait3A_83 : memref<1x400xi32, #tpu.memory_space<hbm>> -> memref<400xi32, #tpu.memory_space<hbm>>
      %dma_wait3A_85 = tpu.memref_slice %arg2[%run_scoped3A_6, %add3A_5] : memref<2x800000xi32, #tpu.memory_space<hbm>> -> memref<1x400xi32, #tpu.memory_space<hbm>>
      %dma_wait3A_86 = tpu.memref_squeeze %dma_wait3A_85 : memref<1x400xi32, #tpu.memory_space<hbm>> -> memref<400xi32, #tpu.memory_space<hbm>>
      tpu.wait_dma2 semaphore(%run_scoped3A_78 : memref<!tpu.dma_semaphore, #tpu.memory_space<semaphore_mem>>) src(%dma_wait3A_86 : memref<400xi32, #tpu.memory_space<hbm>>) dst(%arg10 : memref<400xi32, #tpu.memory_space<vmem>>)
      tpu.yield
    }) : () -> ()
    %dma_start3A = arith.constant 0 : i32
    %dma_start3A_7 = arith.constant 0 : i32
    %dma_start3A_8 = tpu.memref_slice %arg3[%arg0, %dma_start3A, %dma_start3A_7] : memref<2x50000x32xf32, #tpu.memory_space<hbm>> -> memref<1x50000x32xf32, #tpu.memory_space<hbm>>
    %dma_start3A_9 = tpu.memref_squeeze %dma_start3A_8 : memref<1x50000x32xf32, #tpu.memory_space<hbm>> -> memref<50000x32xf32, #tpu.memory_space<hbm>>
    %dma_start3A_10 = arith.constant 0 : i32
    %dma_start3A_11 = arith.constant 0 : i32
    %dma_start3A_12 = tpu.memref_slice %dma_start3A_9[%dma_start3A_10, %dma_start3A_11] : memref<50000x32xf32, #tpu.memory_space<hbm>> -> memref<50000x32xf32, #tpu.memory_space<hbm>>
    tpu.enqueue_indirect_dma source(%dma_start3A_12 : memref<50000x32xf32, #tpu.memory_space<hbm>>) target(%arg12 : memref<400x32xf32, #tpu.memory_space<vmem>>) offsets(%arg8 : memref<400xi32, #tpu.memory_space<vmem>>) semaphore(%arg14 : memref<!tpu.dma_semaphore, #tpu.memory_space<semaphore_mem>>)
    %add3A_13 = arith.constant 400 : i32
    %add3A_14 = arith.addi %mul3A_2, %add3A_13 : i32
    %run_scoped3A_15 = arith.constant 0 : i32
    "tpu.region"() ({
      %run_scoped3A_78 = tpu.sem_alloc : memref<!tpu.dma_semaphore, #tpu.memory_space<semaphore_mem>>
      %dma_start3A_79 = tpu.memref_slice %arg2[%run_scoped3A_15, %add3A_14] : memref<2x800000xi32, #tpu.memory_space<hbm>> -> memref<1x400xi32, #tpu.memory_space<hbm>>
      %dma_start3A_80 = tpu.memref_squeeze %dma_start3A_79 : memref<1x400xi32, #tpu.memory_space<hbm>> -> memref<400xi32, #tpu.memory_space<hbm>>
      %dma_start3A_81 = tpu.memref_slice %arg2[%run_scoped3A_15, %add3A_14] : memref<2x800000xi32, #tpu.memory_space<hbm>> -> memref<1x400xi32, #tpu.memory_space<hbm>>
      %dma_start3A_82 = tpu.memref_squeeze %dma_start3A_81 : memref<1x400xi32, #tpu.memory_space<hbm>> -> memref<400xi32, #tpu.memory_space<hbm>>
      tpu.enqueue_dma source(%dma_start3A_82 : memref<400xi32, #tpu.memory_space<hbm>>) target(%arg9 : memref<400xi32, #tpu.memory_space<vmem>>) target_semaphore(%run_scoped3A_78 : memref<!tpu.dma_semaphore, #tpu.memory_space<semaphore_mem>>)
      %dma_wait3A_83 = tpu.memref_slice %arg2[%run_scoped3A_15, %add3A_14] : memref<2x800000xi32, #tpu.memory_space<hbm>> -> memref<1x400xi32, #tpu.memory_space<hbm>>
      %dma_wait3A_84 = tpu.memref_squeeze %dma_wait3A_83 : memref<1x400xi32, #tpu.memory_space<hbm>> -> memref<400xi32, #tpu.memory_space<hbm>>
      %dma_wait3A_85 = tpu.memref_slice %arg2[%run_scoped3A_15, %add3A_14] : memref<2x800000xi32, #tpu.memory_space<hbm>> -> memref<1x400xi32, #tpu.memory_space<hbm>>
      %dma_wait3A_86 = tpu.memref_squeeze %dma_wait3A_85 : memref<1x400xi32, #tpu.memory_space<hbm>> -> memref<400xi32, #tpu.memory_space<hbm>>
      tpu.wait_dma2 semaphore(%run_scoped3A_78 : memref<!tpu.dma_semaphore, #tpu.memory_space<semaphore_mem>>) src(%dma_wait3A_86 : memref<400xi32, #tpu.memory_space<hbm>>) dst(%arg9 : memref<400xi32, #tpu.memory_space<vmem>>)
      tpu.yield
    }) : () -> ()
    %add3A_16 = arith.constant 400 : i32
    %add3A_17 = arith.addi %mul3A_2, %add3A_16 : i32
    %run_scoped3A_18 = arith.constant 1 : i32
    "tpu.region"() ({
      %run_scoped3A_78 = tpu.sem_alloc : memref<!tpu.dma_semaphore, #tpu.memory_space<semaphore_mem>>
      %dma_start3A_79 = tpu.memref_slice %arg2[%run_scoped3A_18, %add3A_17] : memref<2x800000xi32, #tpu.memory_space<hbm>> -> memref<1x400xi32, #tpu.memory_space<hbm>>
      %dma_start3A_80 = tpu.memref_squeeze %dma_start3A_79 : memref<1x400xi32, #tpu.memory_space<hbm>> -> memref<400xi32, #tpu.memory_space<hbm>>
      %dma_start3A_81 = tpu.memref_slice %arg2[%run_scoped3A_18, %add3A_17] : memref<2x800000xi32, #tpu.memory_space<hbm>> -> memref<1x400xi32, #tpu.memory_space<hbm>>
      %dma_start3A_82 = tpu.memref_squeeze %dma_start3A_81 : memref<1x400xi32, #tpu.memory_space<hbm>> -> memref<400xi32, #tpu.memory_space<hbm>>
      tpu.enqueue_dma source(%dma_start3A_82 : memref<400xi32, #tpu.memory_space<hbm>>) target(%arg11 : memref<400xi32, #tpu.memory_space<vmem>>) target_semaphore(%run_scoped3A_78 : memref<!tpu.dma_semaphore, #tpu.memory_space<semaphore_mem>>)
      %dma_wait3A_83 = tpu.memref_slice %arg2[%run_scoped3A_18, %add3A_17] : memref<2x800000xi32, #tpu.memory_space<hbm>> -> memref<1x400xi32, #tpu.memory_space<hbm>>
      %dma_wait3A_84 = tpu.memref_squeeze %dma_wait3A_83 : memref<1x400xi32, #tpu.memory_space<hbm>> -> memref<400xi32, #tpu.memory_space<hbm>>
      %dma_wait3A_85 = tpu.memref_slice %arg2[%run_scoped3A_18, %add3A_17] : memref<2x800000xi32, #tpu.memory_space<hbm>> -> memref<1x400xi32, #tpu.memory_space<hbm>>
      %dma_wait3A_86 = tpu.memref_squeeze %dma_wait3A_85 : memref<1x400xi32, #tpu.memory_space<hbm>> -> memref<400xi32, #tpu.memory_space<hbm>>
      tpu.wait_dma2 semaphore(%run_scoped3A_78 : memref<!tpu.dma_semaphore, #tpu.memory_space<semaphore_mem>>) src(%dma_wait3A_86 : memref<400xi32, #tpu.memory_space<hbm>>) dst(%arg11 : memref<400xi32, #tpu.memory_space<vmem>>)
      tpu.yield
    }) : () -> ()
    %dma_start3A_19 = arith.constant 0 : i32
    %dma_start3A_20 = arith.constant 0 : i32
    %dma_start3A_21 = tpu.memref_slice %arg3[%arg0, %dma_start3A_19, %dma_start3A_20] : memref<2x50000x32xf32, #tpu.memory_space<hbm>> -> memref<1x50000x32xf32, #tpu.memory_space<hbm>>
    %dma_start3A_22 = tpu.memref_squeeze %dma_start3A_21 : memref<1x50000x32xf32, #tpu.memory_space<hbm>> -> memref<50000x32xf32, #tpu.memory_space<hbm>>
    %dma_start3A_23 = arith.constant 0 : i32
    %dma_start3A_24 = arith.constant 0 : i32
    %dma_start3A_25 = tpu.memref_slice %dma_start3A_22[%dma_start3A_23, %dma_start3A_24] : memref<50000x32xf32, #tpu.memory_space<hbm>> -> memref<50000x32xf32, #tpu.memory_space<hbm>>
    tpu.enqueue_indirect_dma source(%dma_start3A_25 : memref<50000x32xf32, #tpu.memory_space<hbm>>) target(%arg13 : memref<400x32xf32, #tpu.memory_space<vmem>>) offsets(%arg9 : memref<400xi32, #tpu.memory_space<vmem>>) semaphore(%arg15 : memref<!tpu.dma_semaphore, #tpu.memory_space<semaphore_mem>>)
    %scan3A = arith.constant 0 : i32
    %scan3A_26 = arith.constant 0 : i32
    %scan3A_27 = arith.constant 61 : i32
    %scan3A_28 = arith.addi %scan3A_26, %scan3A_27 : i32
    %scan3A_29 = arith.constant 1 : i32
    scf.for %scan3A_78 = %scan3A_26 to %scan3A_28 step %scan3A_29  : i32 {
      %mul3A_79 = arith.constant 2 : i32
      %mul3A_80 = arith.muli %scan3A_78, %mul3A_79 : i32
      %dma_wait3A_81 = arith.constant 0 : i32
      %dma_wait3A_82 = arith.constant 0 : i32
      %dma_wait3A_83 = arith.constant 0 : i32
      %dma_wait3A_84 = tpu.memref_slice %arg3[%dma_wait3A_81, %dma_wait3A_82, %dma_wait3A_83] : memref<2x50000x32xf32, #tpu.memory_space<hbm>> -> memref<1x400x32xf32, #tpu.memory_space<hbm>>
      %dma_wait3A_85 = tpu.memref_squeeze %dma_wait3A_84 : memref<1x400x32xf32, #tpu.memory_space<hbm>> -> memref<400x32xf32, #tpu.memory_space<hbm>>
      %dma_wait3A_86 = arith.constant 0 : i32
      %dma_wait3A_87 = arith.constant 0 : i32
      %dma_wait3A_88 = tpu.memref_slice %arg3[%dma_wait3A_81, %dma_wait3A_86, %dma_wait3A_87] : memref<2x50000x32xf32, #tpu.memory_space<hbm>> -> memref<1x400x32xf32, #tpu.memory_space<hbm>>
      %dma_wait3A_89 = tpu.memref_squeeze %dma_wait3A_88 : memref<1x400x32xf32, #tpu.memory_space<hbm>> -> memref<400x32xf32, #tpu.memory_space<hbm>>
      tpu.wait_dma2 semaphore(%arg14 : memref<!tpu.dma_semaphore, #tpu.memory_space<semaphore_mem>>) src(%dma_wait3A_89 : memref<400x32xf32, #tpu.memory_space<hbm>>) dst(%arg12 : memref<400x32xf32, #tpu.memory_space<vmem>>)
      "tpu.region"() ({
        %run_scoped3A_137 = tpu.sem_alloc : memref<!tpu.dma_semaphore, #tpu.memory_space<semaphore_mem>>
        %dma_start3A_138 = arith.constant 0 : i32
        %dma_start3A_139 = arith.constant 0 : i32
        %dma_start3A_140 = tpu.memref_slice %arg7[%dma_start3A_138, %dma_start3A_139] : memref<50048x32xf32, #tpu.memory_space<vmem_shared>> -> memref<50048x32xf32, #tpu.memory_space<vmem_shared>>
        tpu.enqueue_indirect_dma source(%arg12 : memref<400x32xf32, #tpu.memory_space<vmem>>) target(%dma_start3A_140 : memref<50048x32xf32, #tpu.memory_space<vmem_shared>>) offsets(%arg10 : memref<400xi32, #tpu.memory_space<vmem>>) semaphore(%run_scoped3A_137 : memref<!tpu.dma_semaphore, #tpu.memory_space<semaphore_mem>>) {add = true}
        %dma_wait3A_141 = arith.constant 0 : i32
        %dma_wait3A_142 = arith.constant 0 : i32
        %dma_wait3A_143 = tpu.memref_slice %arg7[%dma_wait3A_141, %dma_wait3A_142] : memref<50048x32xf32, #tpu.memory_space<vmem_shared>> -> memref<50048x32xf32, #tpu.memory_space<vmem_shared>>
        tpu.wait_indirect_dma semaphore(%run_scoped3A_137 : memref<!tpu.dma_semaphore, #tpu.memory_space<semaphore_mem>>) src(%arg12 : memref<400x32xf32, #tpu.memory_space<vmem>>) dst(%dma_wait3A_143 : memref<50048x32xf32, #tpu.memory_space<vmem_shared>>)
        tpu.yield
      }) : () -> ()
      %add3A_90 = arith.constant 0 : i32
      %add3A_91 = arith.addi %mul3A_80, %add3A_90 : i32
      %add3A_92 = arith.constant 2 : i32
      %add3A_93 = arith.addi %add3A_91, %add3A_92 : i32
      %mul3A_94 = arith.constant 400 : i32
      %mul3A_95 = arith.muli %add3A_93, %mul3A_94 : i32
      %add3A_96 = arith.addi %mul3A_2, %mul3A_95 : i32
      %run_scoped3A_97 = arith.constant 0 : i32
      "tpu.region"() ({
        %run_scoped3A_137 = tpu.sem_alloc : memref<!tpu.dma_semaphore, #tpu.memory_space<semaphore_mem>>
        %dma_start3A_138 = tpu.memref_slice %arg2[%run_scoped3A_97, %add3A_96] : memref<2x800000xi32, #tpu.memory_space<hbm>> -> memref<1x400xi32, #tpu.memory_space<hbm>>
        %dma_start3A_139 = tpu.memref_squeeze %dma_start3A_138 : memref<1x400xi32, #tpu.memory_space<hbm>> -> memref<400xi32, #tpu.memory_space<hbm>>
        %dma_start3A_140 = tpu.memref_slice %arg2[%run_scoped3A_97, %add3A_96] : memref<2x800000xi32, #tpu.memory_space<hbm>> -> memref<1x400xi32, #tpu.memory_space<hbm>>
        %dma_start3A_141 = tpu.memref_squeeze %dma_start3A_140 : memref<1x400xi32, #tpu.memory_space<hbm>> -> memref<400xi32, #tpu.memory_space<hbm>>
        tpu.enqueue_dma source(%dma_start3A_141 : memref<400xi32, #tpu.memory_space<hbm>>) target(%arg8 : memref<400xi32, #tpu.memory_space<vmem>>) target_semaphore(%run_scoped3A_137 : memref<!tpu.dma_semaphore, #tpu.memory_space<semaphore_mem>>)
        %dma_wait3A_142 = tpu.memref_slice %arg2[%run_scoped3A_97, %add3A_96] : memref<2x800000xi32, #tpu.memory_space<hbm>> -> memref<1x400xi32, #tpu.memory_space<hbm>>
        %dma_wait3A_143 = tpu.memref_squeeze %dma_wait3A_142 : memref<1x400xi32, #tpu.memory_space<hbm>> -> memref<400xi32, #tpu.memory_space<hbm>>
        %dma_wait3A_144 = tpu.memref_slice %arg2[%run_scoped3A_97, %add3A_96] : memref<2x800000xi32, #tpu.memory_space<hbm>> -> memref<1x400xi32, #tpu.memory_space<hbm>>
        %dma_wait3A_145 = tpu.memref_squeeze %dma_wait3A_144 : memref<1x400xi32, #tpu.memory_space<hbm>> -> memref<400xi32, #tpu.memory_space<hbm>>
        tpu.wait_dma2 semaphore(%run_scoped3A_137 : memref<!tpu.dma_semaphore, #tpu.memory_space<semaphore_mem>>) src(%dma_wait3A_145 : memref<400xi32, #tpu.memory_space<hbm>>) dst(%arg8 : memref<400xi32, #tpu.memory_space<vmem>>)
        tpu.yield
      }) : () -> ()
      %mul3A_98 = arith.constant 400 : i32
      %mul3A_99 = arith.muli %add3A_93, %mul3A_98 : i32
      %add3A_100 = arith.addi %mul3A_2, %mul3A_99 : i32
      %run_scoped3A_101 = arith.constant 1 : i32
      "tpu.region"() ({
        %run_scoped3A_137 = tpu.sem_alloc : memref<!tpu.dma_semaphore, #tpu.memory_space<semaphore_mem>>
        %dma_start3A_138 = tpu.memref_slice %arg2[%run_scoped3A_101, %add3A_100] : memref<2x800000xi32, #tpu.memory_space<hbm>> -> memref<1x400xi32, #tpu.memory_space<hbm>>
        %dma_start3A_139 = tpu.memref_squeeze %dma_start3A_138 : memref<1x400xi32, #tpu.memory_space<hbm>> -> memref<400xi32, #tpu.memory_space<hbm>>
        %dma_start3A_140 = tpu.memref_slice %arg2[%run_scoped3A_101, %add3A_100] : memref<2x800000xi32, #tpu.memory_space<hbm>> -> memref<1x400xi32, #tpu.memory_space<hbm>>
        %dma_start3A_141 = tpu.memref_squeeze %dma_start3A_140 : memref<1x400xi32, #tpu.memory_space<hbm>> -> memref<400xi32, #tpu.memory_space<hbm>>
        tpu.enqueue_dma source(%dma_start3A_141 : memref<400xi32, #tpu.memory_space<hbm>>) target(%arg10 : memref<400xi32, #tpu.memory_space<vmem>>) target_semaphore(%run_scoped3A_137 : memref<!tpu.dma_semaphore, #tpu.memory_space<semaphore_mem>>)
        %dma_wait3A_142 = tpu.memref_slice %arg2[%run_scoped3A_101, %add3A_100] : memref<2x800000xi32, #tpu.memory_space<hbm>> -> memref<1x400xi32, #tpu.memory_space<hbm>>
        %dma_wait3A_143 = tpu.memref_squeeze %dma_wait3A_142 : memref<1x400xi32, #tpu.memory_space<hbm>> -> memref<400xi32, #tpu.memory_space<hbm>>
        %dma_wait3A_144 = tpu.memref_slice %arg2[%run_scoped3A_101, %add3A_100] : memref<2x800000xi32, #tpu.memory_space<hbm>> -> memref<1x400xi32, #tpu.memory_space<hbm>>
        %dma_wait3A_145 = tpu.memref_squeeze %dma_wait3A_144 : memref<1x400xi32, #tpu.memory_space<hbm>> -> memref<400xi32, #tpu.memory_space<hbm>>
        tpu.wait_dma2 semaphore(%run_scoped3A_137 : memref<!tpu.dma_semaphore, #tpu.memory_space<semaphore_mem>>) src(%dma_wait3A_145 : memref<400xi32, #tpu.memory_space<hbm>>) dst(%arg10 : memref<400xi32, #tpu.memory_space<vmem>>)
        tpu.yield
      }) : () -> ()
      %dma_start3A_102 = arith.constant 0 : i32
      %dma_start3A_103 = arith.constant 0 : i32
      %dma_start3A_104 = tpu.memref_slice %arg3[%arg0, %dma_start3A_102, %dma_start3A_103] : memref<2x50000x32xf32, #tpu.memory_space<hbm>> -> memref<1x50000x32xf32, #tpu.memory_space<hbm>>
      %dma_start3A_105 = tpu.memref_squeeze %dma_start3A_104 : memref<1x50000x32xf32, #tpu.memory_space<hbm>> -> memref<50000x32xf32, #tpu.memory_space<hbm>>
      %dma_start3A_106 = arith.constant 0 : i32
      %dma_start3A_107 = arith.constant 0 : i32
      %dma_start3A_108 = tpu.memref_slice %dma_start3A_105[%dma_start3A_106, %dma_start3A_107] : memref<50000x32xf32, #tpu.memory_space<hbm>> -> memref<50000x32xf32, #tpu.memory_space<hbm>>
      tpu.enqueue_indirect_dma source(%dma_start3A_108 : memref<50000x32xf32, #tpu.memory_space<hbm>>) target(%arg12 : memref<400x32xf32, #tpu.memory_space<vmem>>) offsets(%arg8 : memref<400xi32, #tpu.memory_space<vmem>>) semaphore(%arg14 : memref<!tpu.dma_semaphore, #tpu.memory_space<semaphore_mem>>)
      %dma_wait3A_109 = arith.constant 0 : i32
      %dma_wait3A_110 = arith.constant 0 : i32
      %dma_wait3A_111 = arith.constant 0 : i32
      %dma_wait3A_112 = tpu.memref_slice %arg3[%dma_wait3A_109, %dma_wait3A_110, %dma_wait3A_111] : memref<2x50000x32xf32, #tpu.memory_space<hbm>> -> memref<1x400x32xf32, #tpu.memory_space<hbm>>
      %dma_wait3A_113 = tpu.memref_squeeze %dma_wait3A_112 : memref<1x400x32xf32, #tpu.memory_space<hbm>> -> memref<400x32xf32, #tpu.memory_space<hbm>>
      %dma_wait3A_114 = arith.constant 0 : i32
      %dma_wait3A_115 = arith.constant 0 : i32
      %dma_wait3A_116 = tpu.memref_slice %arg3[%dma_wait3A_109, %dma_wait3A_114, %dma_wait3A_115] : memref<2x50000x32xf32, #tpu.memory_space<hbm>> -> memref<1x400x32xf32, #tpu.memory_space<hbm>>
      %dma_wait3A_117 = tpu.memref_squeeze %dma_wait3A_116 : memref<1x400x32xf32, #tpu.memory_space<hbm>> -> memref<400x32xf32, #tpu.memory_space<hbm>>
      tpu.wait_dma2 semaphore(%arg15 : memref<!tpu.dma_semaphore, #tpu.memory_space<semaphore_mem>>) src(%dma_wait3A_117 : memref<400x32xf32, #tpu.memory_space<hbm>>) dst(%arg13 : memref<400x32xf32, #tpu.memory_space<vmem>>)
      "tpu.region"() ({
        %run_scoped3A_137 = tpu.sem_alloc : memref<!tpu.dma_semaphore, #tpu.memory_space<semaphore_mem>>
        %dma_start3A_138 = arith.constant 0 : i32
        %dma_start3A_139 = arith.constant 0 : i32
        %dma_start3A_140 = tpu.memref_slice %arg7[%dma_start3A_138, %dma_start3A_139] : memref<50048x32xf32, #tpu.memory_space<vmem_shared>> -> memref<50048x32xf32, #tpu.memory_space<vmem_shared>>
        tpu.enqueue_indirect_dma source(%arg13 : memref<400x32xf32, #tpu.memory_space<vmem>>) target(%dma_start3A_140 : memref<50048x32xf32, #tpu.memory_space<vmem_shared>>) offsets(%arg11 : memref<400xi32, #tpu.memory_space<vmem>>) semaphore(%run_scoped3A_137 : memref<!tpu.dma_semaphore, #tpu.memory_space<semaphore_mem>>) {add = true}
        %dma_wait3A_141 = arith.constant 0 : i32
        %dma_wait3A_142 = arith.constant 0 : i32
        %dma_wait3A_143 = tpu.memref_slice %arg7[%dma_wait3A_141, %dma_wait3A_142] : memref<50048x32xf32, #tpu.memory_space<vmem_shared>> -> memref<50048x32xf32, #tpu.memory_space<vmem_shared>>
        tpu.wait_indirect_dma semaphore(%run_scoped3A_137 : memref<!tpu.dma_semaphore, #tpu.memory_space<semaphore_mem>>) src(%arg13 : memref<400x32xf32, #tpu.memory_space<vmem>>) dst(%dma_wait3A_143 : memref<50048x32xf32, #tpu.memory_space<vmem_shared>>)
        tpu.yield
      }) : () -> ()
      %add3A_118 = arith.constant 1 : i32
      %add3A_119 = arith.addi %mul3A_80, %add3A_118 : i32
      %add3A_120 = arith.constant 2 : i32
      %add3A_121 = arith.addi %add3A_119, %add3A_120 : i32
      %mul3A_122 = arith.constant 400 : i32
      %mul3A_123 = arith.muli %add3A_121, %mul3A_122 : i32
      %add3A_124 = arith.addi %mul3A_2, %mul3A_123 : i32
      %run_scoped3A_125 = arith.constant 0 : i32
      "tpu.region"() ({
        %run_scoped3A_137 = tpu.sem_alloc : memref<!tpu.dma_semaphore, #tpu.memory_space<semaphore_mem>>
        %dma_start3A_138 = tpu.memref_slice %arg2[%run_scoped3A_125, %add3A_124] : memref<2x800000xi32, #tpu.memory_space<hbm>> -> memref<1x400xi32, #tpu.memory_space<hbm>>
        %dma_start3A_139 = tpu.memref_squeeze %dma_start3A_138 : memref<1x400xi32, #tpu.memory_space<hbm>> -> memref<400xi32, #tpu.memory_space<hbm>>
        %dma_start3A_140 = tpu.memref_slice %arg2[%run_scoped3A_125, %add3A_124] : memref<2x800000xi32, #tpu.memory_space<hbm>> -> memref<1x400xi32, #tpu.memory_space<hbm>>
        %dma_start3A_141 = tpu.memref_squeeze %dma_start3A_140 : memref<1x400xi32, #tpu.memory_space<hbm>> -> memref<400xi32, #tpu.memory_space<hbm>>
        tpu.enqueue_dma source(%dma_start3A_141 : memref<400xi32, #tpu.memory_space<hbm>>) target(%arg9 : memref<400xi32, #tpu.memory_space<vmem>>) target_semaphore(%run_scoped3A_137 : memref<!tpu.dma_semaphore, #tpu.memory_space<semaphore_mem>>)
        %dma_wait3A_142 = tpu.memref_slice %arg2[%run_scoped3A_125, %add3A_124] : memref<2x800000xi32, #tpu.memory_space<hbm>> -> memref<1x400xi32, #tpu.memory_space<hbm>>
        %dma_wait3A_143 = tpu.memref_squeeze %dma_wait3A_142 : memref<1x400xi32, #tpu.memory_space<hbm>> -> memref<400xi32, #tpu.memory_space<hbm>>
        %dma_wait3A_144 = tpu.memref_slice %arg2[%run_scoped3A_125, %add3A_124] : memref<2x800000xi32, #tpu.memory_space<hbm>> -> memref<1x400xi32, #tpu.memory_space<hbm>>
        %dma_wait3A_145 = tpu.memref_squeeze %dma_wait3A_144 : memref<1x400xi32, #tpu.memory_space<hbm>> -> memref<400xi32, #tpu.memory_space<hbm>>
        tpu.wait_dma2 semaphore(%run_scoped3A_137 : memref<!tpu.dma_semaphore, #tpu.memory_space<semaphore_mem>>) src(%dma_wait3A_145 : memref<400xi32, #tpu.memory_space<hbm>>) dst(%arg9 : memref<400xi32, #tpu.memory_space<vmem>>)
        tpu.yield
      }) : () -> ()
      %mul3A_126 = arith.constant 400 : i32
      %mul3A_127 = arith.muli %add3A_121, %mul3A_126 : i32
      %add3A_128 = arith.addi %mul3A_2, %mul3A_127 : i32
      %run_scoped3A_129 = arith.constant 1 : i32
      "tpu.region"() ({
        %run_scoped3A_137 = tpu.sem_alloc : memref<!tpu.dma_semaphore, #tpu.memory_space<semaphore_mem>>
        %dma_start3A_138 = tpu.memref_slice %arg2[%run_scoped3A_129, %add3A_128] : memref<2x800000xi32, #tpu.memory_space<hbm>> -> memref<1x400xi32, #tpu.memory_space<hbm>>
        %dma_start3A_139 = tpu.memref_squeeze %dma_start3A_138 : memref<1x400xi32, #tpu.memory_space<hbm>> -> memref<400xi32, #tpu.memory_space<hbm>>
        %dma_start3A_140 = tpu.memref_slice %arg2[%run_scoped3A_129, %add3A_128] : memref<2x800000xi32, #tpu.memory_space<hbm>> -> memref<1x400xi32, #tpu.memory_space<hbm>>
        %dma_start3A_141 = tpu.memref_squeeze %dma_start3A_140 : memref<1x400xi32, #tpu.memory_space<hbm>> -> memref<400xi32, #tpu.memory_space<hbm>>
        tpu.enqueue_dma source(%dma_start3A_141 : memref<400xi32, #tpu.memory_space<hbm>>) target(%arg11 : memref<400xi32, #tpu.memory_space<vmem>>) target_semaphore(%run_scoped3A_137 : memref<!tpu.dma_semaphore, #tpu.memory_space<semaphore_mem>>)
        %dma_wait3A_142 = tpu.memref_slice %arg2[%run_scoped3A_129, %add3A_128] : memref<2x800000xi32, #tpu.memory_space<hbm>> -> memref<1x400xi32, #tpu.memory_space<hbm>>
        %dma_wait3A_143 = tpu.memref_squeeze %dma_wait3A_142 : memref<1x400xi32, #tpu.memory_space<hbm>> -> memref<400xi32, #tpu.memory_space<hbm>>
        %dma_wait3A_144 = tpu.memref_slice %arg2[%run_scoped3A_129, %add3A_128] : memref<2x800000xi32, #tpu.memory_space<hbm>> -> memref<1x400xi32, #tpu.memory_space<hbm>>
        %dma_wait3A_145 = tpu.memref_squeeze %dma_wait3A_144 : memref<1x400xi32, #tpu.memory_space<hbm>> -> memref<400xi32, #tpu.memory_space<hbm>>
        tpu.wait_dma2 semaphore(%run_scoped3A_137 : memref<!tpu.dma_semaphore, #tpu.memory_space<semaphore_mem>>) src(%dma_wait3A_145 : memref<400xi32, #tpu.memory_space<hbm>>) dst(%arg11 : memref<400xi32, #tpu.memory_space<vmem>>)
        tpu.yield
      }) : () -> ()
      %dma_start3A_130 = arith.constant 0 : i32
      %dma_start3A_131 = arith.constant 0 : i32
      %dma_start3A_132 = tpu.memref_slice %arg3[%arg0, %dma_start3A_130, %dma_start3A_131] : memref<2x50000x32xf32, #tpu.memory_space<hbm>> -> memref<1x50000x32xf32, #tpu.memory_space<hbm>>
      %dma_start3A_133 = tpu.memref_squeeze %dma_start3A_132 : memref<1x50000x32xf32, #tpu.memory_space<hbm>> -> memref<50000x32xf32, #tpu.memory_space<hbm>>
      %dma_start3A_134 = arith.constant 0 : i32
      %dma_start3A_135 = arith.constant 0 : i32
      %dma_start3A_136 = tpu.memref_slice %dma_start3A_133[%dma_start3A_134, %dma_start3A_135] : memref<50000x32xf32, #tpu.memory_space<hbm>> -> memref<50000x32xf32, #tpu.memory_space<hbm>>
      tpu.enqueue_indirect_dma source(%dma_start3A_136 : memref<50000x32xf32, #tpu.memory_space<hbm>>) target(%arg13 : memref<400x32xf32, #tpu.memory_space<vmem>>) offsets(%arg9 : memref<400xi32, #tpu.memory_space<vmem>>) semaphore(%arg15 : memref<!tpu.dma_semaphore, #tpu.memory_space<semaphore_mem>>)
    }
    %scan3A_30 = arith.constant 61 : i32
    %dma_wait3A = arith.constant 0 : i32
    %dma_wait3A_31 = arith.constant 0 : i32
    %dma_wait3A_32 = arith.constant 0 : i32
    %dma_wait3A_33 = tpu.memref_slice %arg3[%dma_wait3A, %dma_wait3A_31, %dma_wait3A_32] : memref<2x50000x32xf32, #tpu.memory_space<hbm>> -> memref<1x400x32xf32, #tpu.memory_space<hbm>>
    %dma_wait3A_34 = tpu.memref_squeeze %dma_wait3A_33 : memref<1x400x32xf32, #tpu.memory_space<hbm>> -> memref<400x32xf32, #tpu.memory_space<hbm>>
    %dma_wait3A_35 = arith.constant 0 : i32
    %dma_wait3A_36 = arith.constant 0 : i32
    %dma_wait3A_37 = tpu.memref_slice %arg3[%dma_wait3A, %dma_wait3A_35, %dma_wait3A_36] : memref<2x50000x32xf32, #tpu.memory_space<hbm>> -> memref<1x400x32xf32, #tpu.memory_space<hbm>>
    %dma_wait3A_38 = tpu.memref_squeeze %dma_wait3A_37 : memref<1x400x32xf32, #tpu.memory_space<hbm>> -> memref<400x32xf32, #tpu.memory_space<hbm>>
    tpu.wait_dma2 semaphore(%arg14 : memref<!tpu.dma_semaphore, #tpu.memory_space<semaphore_mem>>) src(%dma_wait3A_38 : memref<400x32xf32, #tpu.memory_space<hbm>>) dst(%arg12 : memref<400x32xf32, #tpu.memory_space<vmem>>)
    "tpu.region"() ({
      %run_scoped3A_78 = tpu.sem_alloc : memref<!tpu.dma_semaphore, #tpu.memory_space<semaphore_mem>>
      %dma_start3A_79 = arith.constant 0 : i32
      %dma_start3A_80 = arith.constant 0 : i32
      %dma_start3A_81 = tpu.memref_slice %arg7[%dma_start3A_79, %dma_start3A_80] : memref<50048x32xf32, #tpu.memory_space<vmem_shared>> -> memref<50048x32xf32, #tpu.memory_space<vmem_shared>>
      tpu.enqueue_indirect_dma source(%arg12 : memref<400x32xf32, #tpu.memory_space<vmem>>) target(%dma_start3A_81 : memref<50048x32xf32, #tpu.memory_space<vmem_shared>>) offsets(%arg10 : memref<400xi32, #tpu.memory_space<vmem>>) semaphore(%run_scoped3A_78 : memref<!tpu.dma_semaphore, #tpu.memory_space<semaphore_mem>>) {add = true}
      %dma_wait3A_82 = arith.constant 0 : i32
      %dma_wait3A_83 = arith.constant 0 : i32
      %dma_wait3A_84 = tpu.memref_slice %arg7[%dma_wait3A_82, %dma_wait3A_83] : memref<50048x32xf32, #tpu.memory_space<vmem_shared>> -> memref<50048x32xf32, #tpu.memory_space<vmem_shared>>
      tpu.wait_indirect_dma semaphore(%run_scoped3A_78 : memref<!tpu.dma_semaphore, #tpu.memory_space<semaphore_mem>>) src(%arg12 : memref<400x32xf32, #tpu.memory_space<vmem>>) dst(%dma_wait3A_84 : memref<50048x32xf32, #tpu.memory_space<vmem_shared>>)
      tpu.yield
    }) : () -> ()
    %add3A_39 = arith.constant 49600 : i32
    %add3A_40 = arith.addi %mul3A_2, %add3A_39 : i32
    %run_scoped3A_41 = arith.constant 0 : i32
    "tpu.region"() ({
      %run_scoped3A_78 = tpu.sem_alloc : memref<!tpu.dma_semaphore, #tpu.memory_space<semaphore_mem>>
      %dma_start3A_79 = tpu.memref_slice %arg2[%run_scoped3A_41, %add3A_40] : memref<2x800000xi32, #tpu.memory_space<hbm>> -> memref<1x400xi32, #tpu.memory_space<hbm>>
      %dma_start3A_80 = tpu.memref_squeeze %dma_start3A_79 : memref<1x400xi32, #tpu.memory_space<hbm>> -> memref<400xi32, #tpu.memory_space<hbm>>
      %dma_start3A_81 = tpu.memref_slice %arg2[%run_scoped3A_41, %add3A_40] : memref<2x800000xi32, #tpu.memory_space<hbm>> -> memref<1x400xi32, #tpu.memory_space<hbm>>
      %dma_start3A_82 = tpu.memref_squeeze %dma_start3A_81 : memref<1x400xi32, #tpu.memory_space<hbm>> -> memref<400xi32, #tpu.memory_space<hbm>>
      tpu.enqueue_dma source(%dma_start3A_82 : memref<400xi32, #tpu.memory_space<hbm>>) target(%arg8 : memref<400xi32, #tpu.memory_space<vmem>>) target_semaphore(%run_scoped3A_78 : memref<!tpu.dma_semaphore, #tpu.memory_space<semaphore_mem>>)
      %dma_wait3A_83 = tpu.memref_slice %arg2[%run_scoped3A_41, %add3A_40] : memref<2x800000xi32, #tpu.memory_space<hbm>> -> memref<1x400xi32, #tpu.memory_space<hbm>>
      %dma_wait3A_84 = tpu.memref_squeeze %dma_wait3A_83 : memref<1x400xi32, #tpu.memory_space<hbm>> -> memref<400xi32, #tpu.memory_space<hbm>>
      %dma_wait3A_85 = tpu.memref_slice %arg2[%run_scoped3A_41, %add3A_40] : memref<2x800000xi32, #tpu.memory_space<hbm>> -> memref<1x400xi32, #tpu.memory_space<hbm>>
      %dma_wait3A_86 = tpu.memref_squeeze %dma_wait3A_85 : memref<1x400xi32, #tpu.memory_space<hbm>> -> memref<400xi32, #tpu.memory_space<hbm>>
      tpu.wait_dma2 semaphore(%run_scoped3A_78 : memref<!tpu.dma_semaphore, #tpu.memory_space<semaphore_mem>>) src(%dma_wait3A_86 : memref<400xi32, #tpu.memory_space<hbm>>) dst(%arg8 : memref<400xi32, #tpu.memory_space<vmem>>)
      tpu.yield
    }) : () -> ()
    %add3A_42 = arith.constant 49600 : i32
    %add3A_43 = arith.addi %mul3A_2, %add3A_42 : i32
    %run_scoped3A_44 = arith.constant 1 : i32
    "tpu.region"() ({
      %run_scoped3A_78 = tpu.sem_alloc : memref<!tpu.dma_semaphore, #tpu.memory_space<semaphore_mem>>
      %dma_start3A_79 = tpu.memref_slice %arg2[%run_scoped3A_44, %add3A_43] : memref<2x800000xi32, #tpu.memory_space<hbm>> -> memref<1x400xi32, #tpu.memory_space<hbm>>
      %dma_start3A_80 = tpu.memref_squeeze %dma_start3A_79 : memref<1x400xi32, #tpu.memory_space<hbm>> -> memref<400xi32, #tpu.memory_space<hbm>>
      %dma_start3A_81 = tpu.memref_slice %arg2[%run_scoped3A_44, %add3A_43] : memref<2x800000xi32, #tpu.memory_space<hbm>> -> memref<1x400xi32, #tpu.memory_space<hbm>>
      %dma_start3A_82 = tpu.memref_squeeze %dma_start3A_81 : memref<1x400xi32, #tpu.memory_space<hbm>> -> memref<400xi32, #tpu.memory_space<hbm>>
      tpu.enqueue_dma source(%dma_start3A_82 : memref<400xi32, #tpu.memory_space<hbm>>) target(%arg10 : memref<400xi32, #tpu.memory_space<vmem>>) target_semaphore(%run_scoped3A_78 : memref<!tpu.dma_semaphore, #tpu.memory_space<semaphore_mem>>)
      %dma_wait3A_83 = tpu.memref_slice %arg2[%run_scoped3A_44, %add3A_43] : memref<2x800000xi32, #tpu.memory_space<hbm>> -> memref<1x400xi32, #tpu.memory_space<hbm>>
      %dma_wait3A_84 = tpu.memref_squeeze %dma_wait3A_83 : memref<1x400xi32, #tpu.memory_space<hbm>> -> memref<400xi32, #tpu.memory_space<hbm>>
      %dma_wait3A_85 = tpu.memref_slice %arg2[%run_scoped3A_44, %add3A_43] : memref<2x800000xi32, #tpu.memory_space<hbm>> -> memref<1x400xi32, #tpu.memory_space<hbm>>
      %dma_wait3A_86 = tpu.memref_squeeze %dma_wait3A_85 : memref<1x400xi32, #tpu.memory_space<hbm>> -> memref<400xi32, #tpu.memory_space<hbm>>
      tpu.wait_dma2 semaphore(%run_scoped3A_78 : memref<!tpu.dma_semaphore, #tpu.memory_space<semaphore_mem>>) src(%dma_wait3A_86 : memref<400xi32, #tpu.memory_space<hbm>>) dst(%arg10 : memref<400xi32, #tpu.memory_space<vmem>>)
      tpu.yield
    }) : () -> ()
    %dma_start3A_45 = arith.constant 0 : i32
    %dma_start3A_46 = arith.constant 0 : i32
    %dma_start3A_47 = tpu.memref_slice %arg3[%arg0, %dma_start3A_45, %dma_start3A_46] : memref<2x50000x32xf32, #tpu.memory_space<hbm>> -> memref<1x50000x32xf32, #tpu.memory_space<hbm>>
    %dma_start3A_48 = tpu.memref_squeeze %dma_start3A_47 : memref<1x50000x32xf32, #tpu.memory_space<hbm>> -> memref<50000x32xf32, #tpu.memory_space<hbm>>
    %dma_start3A_49 = arith.constant 0 : i32
    %dma_start3A_50 = arith.constant 0 : i32
    %dma_start3A_51 = tpu.memref_slice %dma_start3A_48[%dma_start3A_49, %dma_start3A_50] : memref<50000x32xf32, #tpu.memory_space<hbm>> -> memref<50000x32xf32, #tpu.memory_space<hbm>>
    tpu.enqueue_indirect_dma source(%dma_start3A_51 : memref<50000x32xf32, #tpu.memory_space<hbm>>) target(%arg12 : memref<400x32xf32, #tpu.memory_space<vmem>>) offsets(%arg8 : memref<400xi32, #tpu.memory_space<vmem>>) semaphore(%arg14 : memref<!tpu.dma_semaphore, #tpu.memory_space<semaphore_mem>>)
    %dma_wait3A_52 = arith.constant 0 : i32
    %dma_wait3A_53 = arith.constant 0 : i32
    %dma_wait3A_54 = arith.constant 0 : i32
    %dma_wait3A_55 = tpu.memref_slice %arg3[%dma_wait3A_52, %dma_wait3A_53, %dma_wait3A_54] : memref<2x50000x32xf32, #tpu.memory_space<hbm>> -> memref<1x400x32xf32, #tpu.memory_space<hbm>>
    %dma_wait3A_56 = tpu.memref_squeeze %dma_wait3A_55 : memref<1x400x32xf32, #tpu.memory_space<hbm>> -> memref<400x32xf32, #tpu.memory_space<hbm>>
    %dma_wait3A_57 = arith.constant 0 : i32
    %dma_wait3A_58 = arith.constant 0 : i32
    %dma_wait3A_59 = tpu.memref_slice %arg3[%dma_wait3A_52, %dma_wait3A_57, %dma_wait3A_58] : memref<2x50000x32xf32, #tpu.memory_space<hbm>> -> memref<1x400x32xf32, #tpu.memory_space<hbm>>
    %dma_wait3A_60 = tpu.memref_squeeze %dma_wait3A_59 : memref<1x400x32xf32, #tpu.memory_space<hbm>> -> memref<400x32xf32, #tpu.memory_space<hbm>>
    tpu.wait_dma2 semaphore(%arg15 : memref<!tpu.dma_semaphore, #tpu.memory_space<semaphore_mem>>) src(%dma_wait3A_60 : memref<400x32xf32, #tpu.memory_space<hbm>>) dst(%arg13 : memref<400x32xf32, #tpu.memory_space<vmem>>)
    "tpu.region"() ({
      %run_scoped3A_78 = tpu.sem_alloc : memref<!tpu.dma_semaphore, #tpu.memory_space<semaphore_mem>>
      %dma_start3A_79 = arith.constant 0 : i32
      %dma_start3A_80 = arith.constant 0 : i32
      %dma_start3A_81 = tpu.memref_slice %arg7[%dma_start3A_79, %dma_start3A_80] : memref<50048x32xf32, #tpu.memory_space<vmem_shared>> -> memref<50048x32xf32, #tpu.memory_space<vmem_shared>>
      tpu.enqueue_indirect_dma source(%arg13 : memref<400x32xf32, #tpu.memory_space<vmem>>) target(%dma_start3A_81 : memref<50048x32xf32, #tpu.memory_space<vmem_shared>>) offsets(%arg11 : memref<400xi32, #tpu.memory_space<vmem>>) semaphore(%run_scoped3A_78 : memref<!tpu.dma_semaphore, #tpu.memory_space<semaphore_mem>>) {add = true}
      %dma_wait3A_82 = arith.constant 0 : i32
      %dma_wait3A_83 = arith.constant 0 : i32
      %dma_wait3A_84 = tpu.memref_slice %arg7[%dma_wait3A_82, %dma_wait3A_83] : memref<50048x32xf32, #tpu.memory_space<vmem_shared>> -> memref<50048x32xf32, #tpu.memory_space<vmem_shared>>
      tpu.wait_indirect_dma semaphore(%run_scoped3A_78 : memref<!tpu.dma_semaphore, #tpu.memory_space<semaphore_mem>>) src(%arg13 : memref<400x32xf32, #tpu.memory_space<vmem>>) dst(%dma_wait3A_84 : memref<50048x32xf32, #tpu.memory_space<vmem_shared>>)
      tpu.yield
    }) : () -> ()
    %dma_wait3A_61 = arith.constant 0 : i32
    %dma_wait3A_62 = arith.constant 0 : i32
    %dma_wait3A_63 = arith.constant 0 : i32
    %dma_wait3A_64 = tpu.memref_slice %arg3[%dma_wait3A_61, %dma_wait3A_62, %dma_wait3A_63] : memref<2x50000x32xf32, #tpu.memory_space<hbm>> -> memref<1x400x32xf32, #tpu.memory_space<hbm>>
    %dma_wait3A_65 = tpu.memref_squeeze %dma_wait3A_64 : memref<1x400x32xf32, #tpu.memory_space<hbm>> -> memref<400x32xf32, #tpu.memory_space<hbm>>
    %dma_wait3A_66 = arith.constant 0 : i32
    %dma_wait3A_67 = arith.constant 0 : i32
    %dma_wait3A_68 = tpu.memref_slice %arg3[%dma_wait3A_61, %dma_wait3A_66, %dma_wait3A_67] : memref<2x50000x32xf32, #tpu.memory_space<hbm>> -> memref<1x400x32xf32, #tpu.memory_space<hbm>>
    %dma_wait3A_69 = tpu.memref_squeeze %dma_wait3A_68 : memref<1x400x32xf32, #tpu.memory_space<hbm>> -> memref<400x32xf32, #tpu.memory_space<hbm>>
    tpu.wait_dma2 semaphore(%arg14 : memref<!tpu.dma_semaphore, #tpu.memory_space<semaphore_mem>>) src(%dma_wait3A_69 : memref<400x32xf32, #tpu.memory_space<hbm>>) dst(%arg12 : memref<400x32xf32, #tpu.memory_space<vmem>>)
    "tpu.region"() ({
      %run_scoped3A_78 = tpu.sem_alloc : memref<!tpu.dma_semaphore, #tpu.memory_space<semaphore_mem>>
      %dma_start3A_79 = arith.constant 0 : i32
      %dma_start3A_80 = arith.constant 0 : i32
      %dma_start3A_81 = tpu.memref_slice %arg7[%dma_start3A_79, %dma_start3A_80] : memref<50048x32xf32, #tpu.memory_space<vmem_shared>> -> memref<50048x32xf32, #tpu.memory_space<vmem_shared>>
      tpu.enqueue_indirect_dma source(%arg12 : memref<400x32xf32, #tpu.memory_space<vmem>>) target(%dma_start3A_81 : memref<50048x32xf32, #tpu.memory_space<vmem_shared>>) offsets(%arg10 : memref<400xi32, #tpu.memory_space<vmem>>) semaphore(%run_scoped3A_78 : memref<!tpu.dma_semaphore, #tpu.memory_space<semaphore_mem>>) {add = true}
      %dma_wait3A_82 = arith.constant 0 : i32
      %dma_wait3A_83 = arith.constant 0 : i32
      %dma_wait3A_84 = tpu.memref_slice %arg7[%dma_wait3A_82, %dma_wait3A_83] : memref<50048x32xf32, #tpu.memory_space<vmem_shared>> -> memref<50048x32xf32, #tpu.memory_space<vmem_shared>>
      tpu.wait_indirect_dma semaphore(%run_scoped3A_78 : memref<!tpu.dma_semaphore, #tpu.memory_space<semaphore_mem>>) src(%arg12 : memref<400x32xf32, #tpu.memory_space<vmem>>) dst(%dma_wait3A_84 : memref<50048x32xf32, #tpu.memory_space<vmem_shared>>)
      tpu.yield
    }) : () -> ()
    %barrier3A_70 = arith.constant 0 : index
    tpu.barrier barrier_id(%barrier3A_70)
    %eq3A = arith.constant 0 : i32
    %eq3A_71 = arith.cmpi eq, %arg0, %eq3A : i32
    %convert_element_type3A = arith.extui %eq3A_71 : i1 to i32
    %cond3A = arith.constant 0 : i32
    %cond3A_72 = arith.cmpi ne, %convert_element_type3A, %cond3A : i32
    scf.if %cond3A_72 {
      %mul3A_78 = arith.constant 3128 : i32
      %mul3A_79 = arith.muli %arg1, %mul3A_78 : i32
      %mul3A_80 = arith.constant 3128 : i32
      %mul3A_81 = arith.muli %arg1, %mul3A_80 : i32
      "tpu.region"() ({
        %run_scoped3A_82 = tpu.sem_alloc : memref<!tpu.dma_semaphore, #tpu.memory_space<semaphore_mem>>
        %dma_start3A_83 = arith.constant 0 : i32
        %dma_start3A_84 = tpu.memref_slice %arg5[%mul3A_81, %dma_start3A_83] : memref<50048x32xf32, #tpu.memory_space<hbm>> -> memref<3128x32xf32, #tpu.memory_space<hbm>>
        %dma_start3A_85 = arith.constant 0 : i32
        %dma_start3A_86 = tpu.memref_slice %arg7[%mul3A_79, %dma_start3A_85] : memref<50048x32xf32, #tpu.memory_space<vmem_shared>> -> memref<3128x32xf32, #tpu.memory_space<vmem_shared>>
        tpu.enqueue_dma source(%dma_start3A_86 : memref<3128x32xf32, #tpu.memory_space<vmem_shared>>) target(%dma_start3A_84 : memref<3128x32xf32, #tpu.memory_space<hbm>>) target_semaphore(%run_scoped3A_82 : memref<!tpu.dma_semaphore, #tpu.memory_space<semaphore_mem>>)
        %dma_wait3A_87 = arith.constant 0 : i32
        %dma_wait3A_88 = tpu.memref_slice %arg5[%mul3A_81, %dma_wait3A_87] : memref<50048x32xf32, #tpu.memory_space<hbm>> -> memref<3128x32xf32, #tpu.memory_space<hbm>>
        %dma_wait3A_89 = arith.constant 0 : i32
        %dma_wait3A_90 = tpu.memref_slice %arg7[%mul3A_79, %dma_wait3A_89] : memref<50048x32xf32, #tpu.memory_space<vmem_shared>> -> memref<3128x32xf32, #tpu.memory_space<vmem_shared>>
        tpu.wait_dma2 semaphore(%run_scoped3A_82 : memref<!tpu.dma_semaphore, #tpu.memory_space<semaphore_mem>>) src(%dma_wait3A_90 : memref<3128x32xf32, #tpu.memory_space<vmem_shared>>) dst(%dma_wait3A_88 : memref<3128x32xf32, #tpu.memory_space<hbm>>)
        tpu.yield
      }) : () -> ()
    } else {
    }
    %eq3A_73 = arith.constant 1 : i32
    %eq3A_74 = arith.cmpi eq, %arg0, %eq3A_73 : i32
    %convert_element_type3A_75 = arith.extui %eq3A_74 : i1 to i32
    %cond3A_76 = arith.constant 0 : i32
    %cond3A_77 = arith.cmpi ne, %convert_element_type3A_75, %cond3A_76 : i32
    scf.if %cond3A_77 {
      %mul3A_78 = arith.constant 3128 : i32
      %mul3A_79 = arith.muli %arg1, %mul3A_78 : i32
      %mul3A_80 = arith.constant 3128 : i32
      %mul3A_81 = arith.muli %arg1, %mul3A_80 : i32
      "tpu.region"() ({
        %run_scoped3A_82 = tpu.sem_alloc : memref<!tpu.dma_semaphore, #tpu.memory_space<semaphore_mem>>
        %dma_start3A_83 = arith.constant 0 : i32
        %dma_start3A_84 = tpu.memref_slice %arg6[%mul3A_81, %dma_start3A_83] : memref<50048x32xf32, #tpu.memory_space<hbm>> -> memref<3128x32xf32, #tpu.memory_space<hbm>>
        %dma_start3A_85 = arith.constant 0 : i32
        %dma_start3A_86 = tpu.memref_slice %arg7[%mul3A_79, %dma_start3A_85] : memref<50048x32xf32, #tpu.memory_space<vmem_shared>> -> memref<3128x32xf32, #tpu.memory_space<vmem_shared>>
        tpu.enqueue_dma source(%dma_start3A_86 : memref<3128x32xf32, #tpu.memory_space<vmem_shared>>) target(%dma_start3A_84 : memref<3128x32xf32, #tpu.memory_space<hbm>>) target_semaphore(%run_scoped3A_82 : memref<!tpu.dma_semaphore, #tpu.memory_space<semaphore_mem>>)
        %dma_wait3A_87 = arith.constant 0 : i32
        %dma_wait3A_88 = tpu.memref_slice %arg6[%mul3A_81, %dma_wait3A_87] : memref<50048x32xf32, #tpu.memory_space<hbm>> -> memref<3128x32xf32, #tpu.memory_space<hbm>>
        %dma_wait3A_89 = arith.constant 0 : i32
        %dma_wait3A_90 = tpu.memref_slice %arg7[%mul3A_79, %dma_wait3A_89] : memref<50048x32xf32, #tpu.memory_space<vmem_shared>> -> memref<3128x32xf32, #tpu.memory_space<vmem_shared>>
        tpu.wait_dma2 semaphore(%run_scoped3A_82 : memref<!tpu.dma_semaphore, #tpu.memory_space<semaphore_mem>>) src(%dma_wait3A_90 : memref<3128x32xf32, #tpu.memory_space<vmem_shared>>) dst(%dma_wait3A_88 : memref<3128x32xf32, #tpu.memory_space<hbm>>)
        tpu.yield
      }) : () -> ()
    } else {
    }
    return
  }
}

module attributes {stable_mosaic.version = 14 : i64} {
  func.func @_k1(%arg0: i32, %arg1: memref<5000x128xf32, #tpu.memory_space<vmem>>, %arg2: memref<128x64xf32, #tpu.memory_space<vmem>>, %arg3: memref<1x64xf32, #tpu.memory_space<vmem>>, %arg4: memref<64x64xf32, #tpu.memory_space<vmem>>, %arg5: memref<1x64xf32, #tpu.memory_space<vmem>>, %arg6: memref<5000x64xf32, #tpu.memory_space<vmem>>, %arg7: memref<1x64xf32, #tpu.memory_space<vmem>>, %arg8: memref<1x64xf32, #tpu.memory_space<vmem>>) attributes {dimension_semantics = [#tpu.dimension_semantics<arbitrary>], iteration_bounds = array<i64: 10>, scalar_prefetch = 0 : i64, scratch_operands = 0 : i64, tpu.core_type = #tpu.core_type<tc>, window_params = [{transform_indices = @transform_0, window_bounds = array<i64: 5000, 128>}, {pipeline_mode = #tpu.pipeline_mode<synchronous>, transform_indices = @transform_1, window_bounds = array<i64: 128, 64>}, {pipeline_mode = #tpu.pipeline_mode<synchronous>, transform_indices = @transform_2, window_bounds = array<i64: 1, 64>}, {pipeline_mode = #tpu.pipeline_mode<synchronous>, transform_indices = @transform_3, window_bounds = array<i64: 64, 64>}, {pipeline_mode = #tpu.pipeline_mode<synchronous>, transform_indices = @transform_4, window_bounds = array<i64: 1, 64>}, {transform_indices = @transform_5, window_bounds = array<i64: 5000, 64>}, {pipeline_mode = #tpu.pipeline_mode<synchronous>, transform_indices = @transform_6, window_bounds = array<i64: 1, 64>}, {pipeline_mode = #tpu.pipeline_mode<synchronous>, transform_indices = @transform_7, window_bounds = array<i64: 1, 64>}]} {
    %get3A = arith.constant 0 : index
    %get3A_0 = arith.constant 0 : index
    %get3A_1 = vector.load %arg1[%get3A, %get3A_0] : memref<5000x128xf32, #tpu.memory_space<vmem>>, vector<5000x128xf32>
    %get3A_2 = arith.constant 0 : index
    %get3A_3 = arith.constant 0 : index
    %get3A_4 = vector.load %arg2[%get3A_2, %get3A_3] : memref<128x64xf32, #tpu.memory_space<vmem>>, vector<128x64xf32>
    %dot_general3A = arith.constant dense<0.000000e+00> : vector<5000x64xf32>
    %dot_general3A_5 = tpu.matmul %get3A_1, %get3A_4, %dot_general3A {dimension_numbers = #tpu.dot_dimension_numbers<[1], [0], [0], [1], [0, 0, 1, 1], [], []>, transpose_lhs_hint = false} : vector<5000x128xf32>, vector<128x64xf32>, vector<5000x64xf32> -> vector<5000x64xf32>
    %get3A_6 = arith.constant 0 : index
    %get3A_7 = arith.constant 0 : index
    %get3A_8 = vector.load %arg3[%get3A_6, %get3A_7] : memref<1x64xf32, #tpu.memory_space<vmem>>, vector<1x64xf32>
    %add3A = vector.broadcast %get3A_8 : vector<1x64xf32> to vector<5000x64xf32>
    %add3A_9 = arith.addf %dot_general3A_5, %add3A : vector<5000x64xf32>
    %get3A_10 = arith.constant 0 : index
    %get3A_11 = arith.constant 0 : index
    %get3A_12 = vector.load %arg4[%get3A_10, %get3A_11] : memref<64x64xf32, #tpu.memory_space<vmem>>, vector<64x64xf32>
    %dot_general3A_13 = arith.constant dense<0.000000e+00> : vector<5000x64xf32>
    %dot_general3A_14 = tpu.matmul %add3A_9, %get3A_12, %dot_general3A_13 {dimension_numbers = #tpu.dot_dimension_numbers<[1], [0], [0], [1], [0, 0, 1, 1], [], []>, transpose_lhs_hint = false} : vector<5000x64xf32>, vector<64x64xf32>, vector<5000x64xf32> -> vector<5000x64xf32>
    %get3A_15 = arith.constant 0 : index
    %get3A_16 = arith.constant 0 : index
    %get3A_17 = vector.load %arg5[%get3A_15, %get3A_16] : memref<1x64xf32, #tpu.memory_space<vmem>>, vector<1x64xf32>
    %add3A_18 = vector.broadcast %get3A_17 : vector<1x64xf32> to vector<5000x64xf32>
    %add3A_19 = arith.addf %dot_general3A_14, %add3A_18 : vector<5000x64xf32>
    %max3A = arith.constant 0.000000e+00 : f32
    %max3A_20 = vector.broadcast %max3A : f32 to vector<5000x64xf32>
    %max3A_21 = arith.maximumf %add3A_19, %max3A_20 : vector<5000x64xf32>
    %swap3A = arith.constant 0 : index
    %swap3A_22 = arith.constant 0 : index
    %swap3A_23 = vector.load %arg6[%swap3A, %swap3A_22] : memref<5000x64xf32, #tpu.memory_space<vmem>>, vector<5000x64xf32>
    tpu.vector_store %arg6[%swap3A, %swap3A_22], %max3A_21 {strides = array<i32>} : memref<5000x64xf32, #tpu.memory_space<vmem>>, vector<5000x64xf32>,
    %eq3A = arith.constant 0 : i32
    %eq3A_24 = arith.cmpi eq, %arg0, %eq3A : i32
    %convert_element_type3A = arith.extui %eq3A_24 : i1 to i32
    %cond3A = arith.constant 0 : i32
    %cond3A_25 = arith.cmpi ne, %convert_element_type3A, %cond3A : i32
    scf.if %cond3A_25 {
      %broadcast_in_dim3A_44 = arith.constant 0.000000e+00 : f32
      %broadcast_in_dim3A_45 = vector.broadcast %broadcast_in_dim3A_44 : f32 to vector<1x64xf32>
      %swap3A_46 = arith.constant 0 : index
      %swap3A_47 = arith.constant 0 : index
      %swap3A_48 = vector.load %arg7[%swap3A_46, %swap3A_47] : memref<1x64xf32, #tpu.memory_space<vmem>>, vector<1x64xf32>
      tpu.vector_store %arg7[%swap3A_46, %swap3A_47], %broadcast_in_dim3A_45 {strides = array<i32>} : memref<1x64xf32, #tpu.memory_space<vmem>>, vector<1x64xf32>,
      %broadcast_in_dim3A_49 = arith.constant 0.000000e+00 : f32
      %broadcast_in_dim3A_50 = vector.broadcast %broadcast_in_dim3A_49 : f32 to vector<1x64xf32>
      %swap3A_51 = arith.constant 0 : index
      %swap3A_52 = arith.constant 0 : index
      %swap3A_53 = vector.load %arg8[%swap3A_51, %swap3A_52] : memref<1x64xf32, #tpu.memory_space<vmem>>, vector<1x64xf32>
      tpu.vector_store %arg8[%swap3A_51, %swap3A_52], %broadcast_in_dim3A_50 {strides = array<i32>} : memref<1x64xf32, #tpu.memory_space<vmem>>, vector<1x64xf32>,
    } else {
    }
    %get3A_26 = arith.constant 0 : index
    %get3A_27 = arith.constant 0 : index
    %get3A_28 = vector.load %arg7[%get3A_26, %get3A_27] : memref<1x64xf32, #tpu.memory_space<vmem>>, vector<1x64xf32>
    %reduce_sum3A = arith.constant dense<0.000000e+00> : vector<64xf32>
    %reduce_sum3A_29 = vector.multi_reduction <add>, %max3A_21, %reduce_sum3A [0] : vector<5000x64xf32> to vector<64xf32>
    %broadcast_in_dim3A = vector.shape_cast %reduce_sum3A_29 : vector<64xf32> to vector<1x64xf32>
    %add3A_30 = arith.addf %get3A_28, %broadcast_in_dim3A : vector<1x64xf32>
    %swap3A_31 = arith.constant 0 : index
    %swap3A_32 = arith.constant 0 : index
    %swap3A_33 = vector.load %arg7[%swap3A_31, %swap3A_32] : memref<1x64xf32, #tpu.memory_space<vmem>>, vector<1x64xf32>
    tpu.vector_store %arg7[%swap3A_31, %swap3A_32], %add3A_30 {strides = array<i32>} : memref<1x64xf32, #tpu.memory_space<vmem>>, vector<1x64xf32>,
    %get3A_34 = arith.constant 0 : index
    %get3A_35 = arith.constant 0 : index
    %get3A_36 = vector.load %arg8[%get3A_34, %get3A_35] : memref<1x64xf32, #tpu.memory_space<vmem>>, vector<1x64xf32>
    %mul3A = arith.mulf %max3A_21, %max3A_21 : vector<5000x64xf32>
    %reduce_sum3A_37 = arith.constant dense<0.000000e+00> : vector<64xf32>
    %reduce_sum3A_38 = vector.multi_reduction <add>, %mul3A, %reduce_sum3A_37 [0] : vector<5000x64xf32> to vector<64xf32>
    %broadcast_in_dim3A_39 = vector.shape_cast %reduce_sum3A_38 : vector<64xf32> to vector<1x64xf32>
    %add3A_40 = arith.addf %get3A_36, %broadcast_in_dim3A_39 : vector<1x64xf32>
    %swap3A_41 = arith.constant 0 : index
    %swap3A_42 = arith.constant 0 : index
    %swap3A_43 = vector.load %arg8[%swap3A_41, %swap3A_42] : memref<1x64xf32, #tpu.memory_space<vmem>>, vector<1x64xf32>
    tpu.vector_store %arg8[%swap3A_41, %swap3A_42], %add3A_40 {strides = array<i32>} : memref<1x64xf32, #tpu.memory_space<vmem>>, vector<1x64xf32>,
    return
  }
  func.func @transform_0(%arg0: i32) -> (i32, i32) {
    %c0_i32 = arith.constant 0 : i32
    %c0_i32_0 = arith.constant 0 : i32
    return %arg0, %c0_i32 : i32, i32
  }
  func.func @transform_1(%arg0: i32) -> (i32, i32) {
    %c0_i32 = arith.constant 0 : i32
    %c0_i32_0 = arith.constant 0 : i32
    %c0_i32_1 = arith.constant 0 : i32
    return %c0_i32, %c0_i32_0 : i32, i32
  }
  func.func @transform_2(%arg0: i32) -> (i32, i32) {
    %c0_i32 = arith.constant 0 : i32
    %c0_i32_0 = arith.constant 0 : i32
    %c0_i32_1 = arith.constant 0 : i32
    return %c0_i32, %c0_i32_0 : i32, i32
  }
  func.func @transform_3(%arg0: i32) -> (i32, i32) {
    %c0_i32 = arith.constant 0 : i32
    %c0_i32_0 = arith.constant 0 : i32
    %c0_i32_1 = arith.constant 0 : i32
    return %c0_i32, %c0_i32_0 : i32, i32
  }
  func.func @transform_4(%arg0: i32) -> (i32, i32) {
    %c0_i32 = arith.constant 0 : i32
    %c0_i32_0 = arith.constant 0 : i32
    %c0_i32_1 = arith.constant 0 : i32
    return %c0_i32, %c0_i32_0 : i32, i32
  }
  func.func @transform_5(%arg0: i32) -> (i32, i32) {
    %c0_i32 = arith.constant 0 : i32
    %c0_i32_0 = arith.constant 0 : i32
    return %arg0, %c0_i32 : i32, i32
  }
  func.func @transform_6(%arg0: i32) -> (i32, i32) {
    %c0_i32 = arith.constant 0 : i32
    %c0_i32_0 = arith.constant 0 : i32
    %c0_i32_1 = arith.constant 0 : i32
    return %c0_i32, %c0_i32_0 : i32, i32
  }
  func.func @transform_7(%arg0: i32) -> (i32, i32) {
    %c0_i32 = arith.constant 0 : i32
    %c0_i32_0 = arith.constant 0 : i32
    %c0_i32_1 = arith.constant 0 : i32
    return %c0_i32, %c0_i32_0 : i32, i32
  }
}

module attributes {stable_mosaic.version = 14 : i64} {
  func.func @_k2(%arg0: i32, %arg1: memref<5000x64xf32, #tpu.memory_space<vmem>>, %arg2: memref<5000x1xf32, #tpu.memory_space<vmem>>, %arg3: memref<5000x1xf32, #tpu.memory_space<vmem>>, %arg4: memref<1x64xf32, #tpu.memory_space<vmem>>, %arg5: memref<1x64xf32, #tpu.memory_space<vmem>>, %arg6: memref<1x64xf32, #tpu.memory_space<vmem>>, %arg7: memref<1x64xf32, #tpu.memory_space<vmem>>, %arg8: memref<2x5000x32xf32, #tpu.memory_space<vmem>>) attributes {dimension_semantics = [#tpu.dimension_semantics<arbitrary>], iteration_bounds = array<i64: 10>, scalar_prefetch = 0 : i64, scratch_operands = 0 : i64, tpu.core_type = #tpu.core_type<tc>, window_params = [{transform_indices = @transform_0, window_bounds = array<i64: 5000, 64>}, {transform_indices = @transform_1, window_bounds = array<i64: 5000, 1>}, {transform_indices = @transform_2, window_bounds = array<i64: 5000, 1>}, {pipeline_mode = #tpu.pipeline_mode<synchronous>, transform_indices = @transform_3, window_bounds = array<i64: 1, 64>}, {pipeline_mode = #tpu.pipeline_mode<synchronous>, transform_indices = @transform_4, window_bounds = array<i64: 1, 64>}, {pipeline_mode = #tpu.pipeline_mode<synchronous>, transform_indices = @transform_5, window_bounds = array<i64: 1, 64>}, {pipeline_mode = #tpu.pipeline_mode<synchronous>, transform_indices = @transform_6, window_bounds = array<i64: 1, 64>}, {transform_indices = @transform_7, window_bounds = array<i64: 2, 5000, 32>}]} {
    %get3A = arith.constant 0 : index
    %get3A_0 = arith.constant 0 : index
    %get3A_1 = vector.load %arg4[%get3A, %get3A_0] : memref<1x64xf32, #tpu.memory_space<vmem>>, vector<1x64xf32>
    %get3A_2 = arith.constant 0 : index
    %get3A_3 = arith.constant 0 : index
    %get3A_4 = vector.load %arg5[%get3A_2, %get3A_3] : memref<1x64xf32, #tpu.memory_space<vmem>>, vector<1x64xf32>
    %get3A_5 = arith.constant 0 : index
    %get3A_6 = arith.constant 0 : index
    %get3A_7 = vector.load %arg6[%get3A_5, %get3A_6] : memref<1x64xf32, #tpu.memory_space<vmem>>, vector<1x64xf32>
    %get3A_8 = arith.constant 0 : index
    %get3A_9 = arith.constant 0 : index
    %get3A_10 = vector.load %arg7[%get3A_8, %get3A_9] : memref<1x64xf32, #tpu.memory_space<vmem>>, vector<1x64xf32>
    %div3A = arith.constant 5.000000e+04 : f32
    %div3A_11 = vector.broadcast %div3A : f32 to vector<1x64xf32>
    %div3A_12 = arith.divf %get3A_1, %div3A_11 : vector<1x64xf32>
    %div3A_13 = arith.constant 5.000000e+04 : f32
    %div3A_14 = vector.broadcast %div3A_13 : f32 to vector<1x64xf32>
    %div3A_15 = arith.divf %get3A_4, %div3A_14 : vector<1x64xf32>
    %mul3A = arith.mulf %div3A_12, %div3A_12 : vector<1x64xf32>
    %sub3A = arith.subf %div3A_15, %mul3A : vector<1x64xf32>
    %add3A = arith.constant 9.99999974E-6 : f32
    %add3A_16 = vector.broadcast %add3A : f32 to vector<1x64xf32>
    %add3A_17 = arith.addf %sub3A, %add3A_16 : vector<1x64xf32>
    %rsqrt3A = math.rsqrt %add3A_17 : vector<1x64xf32>
    %mul3A_18 = arith.mulf %get3A_7, %rsqrt3A : vector<1x64xf32>
    %mul3A_19 = arith.mulf %div3A_12, %mul3A_18 : vector<1x64xf32>
    %sub3A_20 = arith.subf %get3A_10, %mul3A_19 : vector<1x64xf32>
    %get3A_21 = arith.constant 0 : index
    %get3A_22 = arith.constant 0 : index
    %get3A_23 = vector.load %arg1[%get3A_21, %get3A_22] : memref<5000x64xf32, #tpu.memory_space<vmem>>, vector<5000x64xf32>
    %mul3A_24 = vector.broadcast %mul3A_18 : vector<1x64xf32> to vector<5000x64xf32>
    %mul3A_25 = arith.mulf %get3A_23, %mul3A_24 : vector<5000x64xf32>
    %add3A_26 = vector.broadcast %sub3A_20 : vector<1x64xf32> to vector<5000x64xf32>
    %add3A_27 = arith.addf %mul3A_25, %add3A_26 : vector<5000x64xf32>
    %get3A_28 = arith.constant 0 : index
    %get3A_29 = arith.constant 0 : index
    %get3A_30 = vector.load %arg2[%get3A_28, %get3A_29] : memref<5000x1xf32, #tpu.memory_space<vmem>>, vector<5000x1xf32>
    %get3A_31 = arith.constant 0 : index
    %get3A_32 = arith.constant 0 : index
    %get3A_33 = vector.load %arg3[%get3A_31, %get3A_32] : memref<5000x1xf32, #tpu.memory_space<vmem>>, vector<5000x1xf32>
    %add3A_34 = arith.addf %get3A_30, %get3A_33 : vector<5000x1xf32>
    %rsqrt3A_35 = math.rsqrt %add3A_34 : vector<5000x1xf32>
    %mul3A_36 = vector.broadcast %rsqrt3A_35 : vector<5000x1xf32> to vector<5000x64xf32>
    %mul3A_37 = arith.mulf %add3A_27, %mul3A_36 : vector<5000x64xf32>
    %slice3A = vector.extract_strided_slice %mul3A_37 {offsets = [0, 0], sizes = [5000, 32], strides = [1, 1]} : vector<5000x64xf32> to vector<5000x32xf32>
    %swap3A = arith.constant 0 : index
    %swap3A_38 = arith.constant 0 : index
    %swap3A_39 = arith.constant 0 : index
    %swap3A_40 = vector.load %arg8[%swap3A, %swap3A_38, %swap3A_39] : memref<2x5000x32xf32, #tpu.memory_space<vmem>>, vector<1x5000x32xf32>
    %swap3A_41 = vector.shape_cast %swap3A_40 : vector<1x5000x32xf32> to vector<5000x32xf32>
    %swap3A_42 = vector.shape_cast %slice3A : vector<5000x32xf32> to vector<1x5000x32xf32>
    tpu.vector_store %arg8[%swap3A, %swap3A_38, %swap3A_39], %swap3A_42 {strides = array<i32>} : memref<2x5000x32xf32, #tpu.memory_space<vmem>>, vector<1x5000x32xf32>,
    %slice3A_43 = vector.extract_strided_slice %mul3A_37 {offsets = [0, 32], sizes = [5000, 32], strides = [1, 1]} : vector<5000x64xf32> to vector<5000x32xf32>
    %swap3A_44 = arith.constant 1 : index
    %swap3A_45 = arith.constant 0 : index
    %swap3A_46 = arith.constant 0 : index
    %swap3A_47 = vector.load %arg8[%swap3A_44, %swap3A_45, %swap3A_46] : memref<2x5000x32xf32, #tpu.memory_space<vmem>>, vector<1x5000x32xf32>
    %swap3A_48 = vector.shape_cast %swap3A_47 : vector<1x5000x32xf32> to vector<5000x32xf32>
    %swap3A_49 = vector.shape_cast %slice3A_43 : vector<5000x32xf32> to vector<1x5000x32xf32>
    tpu.vector_store %arg8[%swap3A_44, %swap3A_45, %swap3A_46], %swap3A_49 {strides = array<i32>} : memref<2x5000x32xf32, #tpu.memory_space<vmem>>, vector<1x5000x32xf32>,
    return
  }
  func.func @transform_0(%arg0: i32) -> (i32, i32) {
    %c0_i32 = arith.constant 0 : i32
    %c0_i32_0 = arith.constant 0 : i32
    return %arg0, %c0_i32 : i32, i32
  }
  func.func @transform_1(%arg0: i32) -> (i32, i32) {
    %c0_i32 = arith.constant 0 : i32
    %c0_i32_0 = arith.constant 0 : i32
    return %arg0, %c0_i32 : i32, i32
  }
  func.func @transform_2(%arg0: i32) -> (i32, i32) {
    %c0_i32 = arith.constant 0 : i32
    %c0_i32_0 = arith.constant 0 : i32
    return %arg0, %c0_i32 : i32, i32
  }
  func.func @transform_3(%arg0: i32) -> (i32, i32) {
    %c0_i32 = arith.constant 0 : i32
    %c0_i32_0 = arith.constant 0 : i32
    %c0_i32_1 = arith.constant 0 : i32
    return %c0_i32, %c0_i32_0 : i32, i32
  }
  func.func @transform_4(%arg0: i32) -> (i32, i32) {
    %c0_i32 = arith.constant 0 : i32
    %c0_i32_0 = arith.constant 0 : i32
    %c0_i32_1 = arith.constant 0 : i32
    return %c0_i32, %c0_i32_0 : i32, i32
  }
  func.func @transform_5(%arg0: i32) -> (i32, i32) {
    %c0_i32 = arith.constant 0 : i32
    %c0_i32_0 = arith.constant 0 : i32
    %c0_i32_1 = arith.constant 0 : i32
    return %c0_i32, %c0_i32_0 : i32, i32
  }
  func.func @transform_6(%arg0: i32) -> (i32, i32) {
    %c0_i32 = arith.constant 0 : i32
    %c0_i32_0 = arith.constant 0 : i32
    %c0_i32_1 = arith.constant 0 : i32
    return %c0_i32, %c0_i32_0 : i32, i32
  }
  func.func @transform_7(%arg0: i32) -> (i32, i32, i32) {
    %c0_i32 = arith.constant 0 : i32
    %c0_i32_0 = arith.constant 0 : i32
    %c0_i32_1 = arith.constant 0 : i32
    return %c0_i32, %arg0, %c0_i32_0 : i32, i32, i32
  }
}

module attributes {stable_mosaic.version = 14 : i64} {
  func.func @_k3(%arg0: i32, %arg1: memref<5000x64xf32, #tpu.memory_space<vmem>>, %arg2: memref<5000x32xf32, #tpu.memory_space<vmem>>, %arg3: memref<5000x32xf32, #tpu.memory_space<vmem>>, %arg4: memref<5000x1xf32, #tpu.memory_space<vmem>>, %arg5: memref<5000x1xf32, #tpu.memory_space<vmem>>, %arg6: memref<1x64xf32, #tpu.memory_space<vmem>>, %arg7: memref<1x64xf32, #tpu.memory_space<vmem>>, %arg8: memref<1x64xf32, #tpu.memory_space<vmem>>, %arg9: memref<1x64xf32, #tpu.memory_space<vmem>>, %arg10: memref<64x64xf32, #tpu.memory_space<vmem>>, %arg11: memref<1x64xf32, #tpu.memory_space<vmem>>, %arg12: memref<64x64xf32, #tpu.memory_space<vmem>>, %arg13: memref<1x64xf32, #tpu.memory_space<vmem>>, %arg14: memref<5000x64xf32, #tpu.memory_space<vmem>>, %arg15: memref<1x64xf32, #tpu.memory_space<vmem>>, %arg16: memref<1x64xf32, #tpu.memory_space<vmem>>) attributes {dimension_semantics = [#tpu.dimension_semantics<arbitrary>], iteration_bounds = array<i64: 10>, scalar_prefetch = 0 : i64, scratch_operands = 0 : i64, tpu.core_type = #tpu.core_type<tc>, window_params = [{transform_indices = @transform_0, window_bounds = array<i64: 5000, 64>}, {transform_indices = @transform_1, window_bounds = array<i64: 5000, 32>}, {transform_indices = @transform_2, window_bounds = array<i64: 5000, 32>}, {transform_indices = @transform_3, window_bounds = array<i64: 5000, 1>}, {transform_indices = @transform_4, window_bounds = array<i64: 5000, 1>}, {pipeline_mode = #tpu.pipeline_mode<synchronous>, transform_indices = @transform_5, window_bounds = array<i64: 1, 64>}, {pipeline_mode = #tpu.pipeline_mode<synchronous>, transform_indices = @transform_6, window_bounds = array<i64: 1, 64>}, {pipeline_mode = #tpu.pipeline_mode<synchronous>, transform_indices = @transform_7, window_bounds = array<i64: 1, 64>}, {pipeline_mode = #tpu.pipeline_mode<synchronous>, transform_indices = @transform_8, window_bounds = array<i64: 1, 64>}, {pipeline_mode = #tpu.pipeline_mode<synchronous>, transform_indices = @transform_9, window_bounds = array<i64: 64, 64>}, {pipeline_mode = #tpu.pipeline_mode<synchronous>, transform_indices = @transform_10, window_bounds = array<i64: 1, 64>}, {pipeline_mode = #tpu.pipeline_mode<synchronous>, transform_indices = @transform_11, window_bounds = array<i64: 64, 64>}, {pipeline_mode = #tpu.pipeline_mode<synchronous>, transform_indices = @transform_12, window_bounds = array<i64: 1, 64>}, {transform_indices = @transform_13, window_bounds = array<i64: 5000, 64>}, {pipeline_mode = #tpu.pipeline_mode<synchronous>, transform_indices = @transform_14, window_bounds = array<i64: 1, 64>}, {pipeline_mode = #tpu.pipeline_mode<synchronous>, transform_indices = @transform_15, window_bounds = array<i64: 1, 64>}]} {
    %get3A = arith.constant 0 : index
    %get3A_0 = arith.constant 0 : index
    %get3A_1 = vector.load %arg6[%get3A, %get3A_0] : memref<1x64xf32, #tpu.memory_space<vmem>>, vector<1x64xf32>
    %get3A_2 = arith.constant 0 : index
    %get3A_3 = arith.constant 0 : index
    %get3A_4 = vector.load %arg7[%get3A_2, %get3A_3] : memref<1x64xf32, #tpu.memory_space<vmem>>, vector<1x64xf32>
    %get3A_5 = arith.constant 0 : index
    %get3A_6 = arith.constant 0 : index
    %get3A_7 = vector.load %arg8[%get3A_5, %get3A_6] : memref<1x64xf32, #tpu.memory_space<vmem>>, vector<1x64xf32>
    %get3A_8 = arith.constant 0 : index
    %get3A_9 = arith.constant 0 : index
    %get3A_10 = vector.load %arg9[%get3A_8, %get3A_9] : memref<1x64xf32, #tpu.memory_space<vmem>>, vector<1x64xf32>
    %div3A = arith.constant 5.000000e+04 : f32
    %div3A_11 = vector.broadcast %div3A : f32 to vector<1x64xf32>
    %div3A_12 = arith.divf %get3A_1, %div3A_11 : vector<1x64xf32>
    %div3A_13 = arith.constant 5.000000e+04 : f32
    %div3A_14 = vector.broadcast %div3A_13 : f32 to vector<1x64xf32>
    %div3A_15 = arith.divf %get3A_4, %div3A_14 : vector<1x64xf32>
    %mul3A = arith.mulf %div3A_12, %div3A_12 : vector<1x64xf32>
    %sub3A = arith.subf %div3A_15, %mul3A : vector<1x64xf32>
    %add3A = arith.constant 9.99999974E-6 : f32
    %add3A_16 = vector.broadcast %add3A : f32 to vector<1x64xf32>
    %add3A_17 = arith.addf %sub3A, %add3A_16 : vector<1x64xf32>
    %rsqrt3A = math.rsqrt %add3A_17 : vector<1x64xf32>
    %mul3A_18 = arith.mulf %get3A_7, %rsqrt3A : vector<1x64xf32>
    %mul3A_19 = arith.mulf %div3A_12, %mul3A_18 : vector<1x64xf32>
    %sub3A_20 = arith.subf %get3A_10, %mul3A_19 : vector<1x64xf32>
    %get3A_21 = arith.constant 0 : index
    %get3A_22 = arith.constant 0 : index
    %get3A_23 = vector.load %arg1[%get3A_21, %get3A_22] : memref<5000x64xf32, #tpu.memory_space<vmem>>, vector<5000x64xf32>
    %mul3A_24 = vector.broadcast %mul3A_18 : vector<1x64xf32> to vector<5000x64xf32>
    %mul3A_25 = arith.mulf %get3A_23, %mul3A_24 : vector<5000x64xf32>
    %add3A_26 = vector.broadcast %sub3A_20 : vector<1x64xf32> to vector<5000x64xf32>
    %add3A_27 = arith.addf %mul3A_25, %add3A_26 : vector<5000x64xf32>
    %get3A_28 = arith.constant 0 : index
    %get3A_29 = arith.constant 0 : index
    %get3A_30 = vector.load %arg4[%get3A_28, %get3A_29] : memref<5000x1xf32, #tpu.memory_space<vmem>>, vector<5000x1xf32>
    %get3A_31 = arith.constant 0 : index
    %get3A_32 = arith.constant 0 : index
    %get3A_33 = vector.load %arg5[%get3A_31, %get3A_32] : memref<5000x1xf32, #tpu.memory_space<vmem>>, vector<5000x1xf32>
    %add3A_34 = arith.addf %get3A_30, %get3A_33 : vector<5000x1xf32>
    %rsqrt3A_35 = math.rsqrt %add3A_34 : vector<5000x1xf32>
    %mul3A_36 = vector.broadcast %rsqrt3A_35 : vector<5000x1xf32> to vector<5000x64xf32>
    %mul3A_37 = arith.mulf %add3A_27, %mul3A_36 : vector<5000x64xf32>
    %get3A_38 = arith.constant 0 : index
    %get3A_39 = arith.constant 0 : index
    %get3A_40 = vector.load %arg2[%get3A_38, %get3A_39] : memref<5000x32xf32, #tpu.memory_space<vmem>>, vector<5000x32xf32>
    %get3A_41 = arith.constant 0 : index
    %get3A_42 = arith.constant 0 : index
    %get3A_43 = vector.load %arg3[%get3A_41, %get3A_42] : memref<5000x32xf32, #tpu.memory_space<vmem>>, vector<5000x32xf32>
    %concatenate3A = tpu.concatenate %get3A_40, %get3A_43 in 1 : vector<5000x32xf32>, vector<5000x32xf32> -> vector<5000x64xf32>
    %add3A_44 = arith.addf %concatenate3A, %mul3A_37 : vector<5000x64xf32>
    %mul3A_45 = vector.broadcast %rsqrt3A_35 : vector<5000x1xf32> to vector<5000x64xf32>
    %mul3A_46 = arith.mulf %add3A_44, %mul3A_45 : vector<5000x64xf32>
    %get3A_47 = arith.constant 0 : index
    %get3A_48 = arith.constant 0 : index
    %get3A_49 = vector.load %arg10[%get3A_47, %get3A_48] : memref<64x64xf32, #tpu.memory_space<vmem>>, vector<64x64xf32>
    %dot_general3A = arith.constant dense<0.000000e+00> : vector<5000x64xf32>
    %dot_general3A_50 = tpu.matmul %mul3A_46, %get3A_49, %dot_general3A {dimension_numbers = #tpu.dot_dimension_numbers<[1], [0], [0], [1], [0, 0, 1, 1], [], []>, transpose_lhs_hint = false} : vector<5000x64xf32>, vector<64x64xf32>, vector<5000x64xf32> -> vector<5000x64xf32>
    %get3A_51 = arith.constant 0 : index
    %get3A_52 = arith.constant 0 : index
    %get3A_53 = vector.load %arg11[%get3A_51, %get3A_52] : memref<1x64xf32, #tpu.memory_space<vmem>>, vector<1x64xf32>
    %add3A_54 = vector.broadcast %get3A_53 : vector<1x64xf32> to vector<5000x64xf32>
    %add3A_55 = arith.addf %dot_general3A_50, %add3A_54 : vector<5000x64xf32>
    %max3A = arith.constant 0.000000e+00 : f32
    %max3A_56 = vector.broadcast %max3A : f32 to vector<5000x64xf32>
    %max3A_57 = arith.maximumf %add3A_55, %max3A_56 : vector<5000x64xf32>
    %get3A_58 = arith.constant 0 : index
    %get3A_59 = arith.constant 0 : index
    %get3A_60 = vector.load %arg12[%get3A_58, %get3A_59] : memref<64x64xf32, #tpu.memory_space<vmem>>, vector<64x64xf32>
    %dot_general3A_61 = arith.constant dense<0.000000e+00> : vector<5000x64xf32>
    %dot_general3A_62 = tpu.matmul %max3A_57, %get3A_60, %dot_general3A_61 {dimension_numbers = #tpu.dot_dimension_numbers<[1], [0], [0], [1], [0, 0, 1, 1], [], []>, transpose_lhs_hint = false} : vector<5000x64xf32>, vector<64x64xf32>, vector<5000x64xf32> -> vector<5000x64xf32>
    %get3A_63 = arith.constant 0 : index
    %get3A_64 = arith.constant 0 : index
    %get3A_65 = vector.load %arg13[%get3A_63, %get3A_64] : memref<1x64xf32, #tpu.memory_space<vmem>>, vector<1x64xf32>
    %add3A_66 = vector.broadcast %get3A_65 : vector<1x64xf32> to vector<5000x64xf32>
    %add3A_67 = arith.addf %dot_general3A_62, %add3A_66 : vector<5000x64xf32>
    %max3A_68 = arith.constant 0.000000e+00 : f32
    %max3A_69 = vector.broadcast %max3A_68 : f32 to vector<5000x64xf32>
    %max3A_70 = arith.maximumf %add3A_67, %max3A_69 : vector<5000x64xf32>
    %swap3A = arith.constant 0 : index
    %swap3A_71 = arith.constant 0 : index
    %swap3A_72 = vector.load %arg14[%swap3A, %swap3A_71] : memref<5000x64xf32, #tpu.memory_space<vmem>>, vector<5000x64xf32>
    tpu.vector_store %arg14[%swap3A, %swap3A_71], %max3A_70 {strides = array<i32>} : memref<5000x64xf32, #tpu.memory_space<vmem>>, vector<5000x64xf32>,
    %eq3A = arith.constant 0 : i32
    %eq3A_73 = arith.cmpi eq, %arg0, %eq3A : i32
    %convert_element_type3A = arith.extui %eq3A_73 : i1 to i32
    %cond3A = arith.constant 0 : i32
    %cond3A_74 = arith.cmpi ne, %convert_element_type3A, %cond3A : i32
    scf.if %cond3A_74 {
      %broadcast_in_dim3A_94 = arith.constant 0.000000e+00 : f32
      %broadcast_in_dim3A_95 = vector.broadcast %broadcast_in_dim3A_94 : f32 to vector<1x64xf32>
      %swap3A_96 = arith.constant 0 : index
      %swap3A_97 = arith.constant 0 : index
      %swap3A_98 = vector.load %arg15[%swap3A_96, %swap3A_97] : memref<1x64xf32, #tpu.memory_space<vmem>>, vector<1x64xf32>
      tpu.vector_store %arg15[%swap3A_96, %swap3A_97], %broadcast_in_dim3A_95 {strides = array<i32>} : memref<1x64xf32, #tpu.memory_space<vmem>>, vector<1x64xf32>,
      %broadcast_in_dim3A_99 = arith.constant 0.000000e+00 : f32
      %broadcast_in_dim3A_100 = vector.broadcast %broadcast_in_dim3A_99 : f32 to vector<1x64xf32>
      %swap3A_101 = arith.constant 0 : index
      %swap3A_102 = arith.constant 0 : index
      %swap3A_103 = vector.load %arg16[%swap3A_101, %swap3A_102] : memref<1x64xf32, #tpu.memory_space<vmem>>, vector<1x64xf32>
      tpu.vector_store %arg16[%swap3A_101, %swap3A_102], %broadcast_in_dim3A_100 {strides = array<i32>} : memref<1x64xf32, #tpu.memory_space<vmem>>, vector<1x64xf32>,
    } else {
    }
    %get3A_75 = arith.constant 0 : index
    %get3A_76 = arith.constant 0 : index
    %get3A_77 = vector.load %arg15[%get3A_75, %get3A_76] : memref<1x64xf32, #tpu.memory_space<vmem>>, vector<1x64xf32>
    %reduce_sum3A = arith.constant dense<0.000000e+00> : vector<64xf32>
    %reduce_sum3A_78 = vector.multi_reduction <add>, %max3A_70, %reduce_sum3A [0] : vector<5000x64xf32> to vector<64xf32>
    %broadcast_in_dim3A = vector.shape_cast %reduce_sum3A_78 : vector<64xf32> to vector<1x64xf32>
    %add3A_79 = arith.addf %get3A_77, %broadcast_in_dim3A : vector<1x64xf32>
    %swap3A_80 = arith.constant 0 : index
    %swap3A_81 = arith.constant 0 : index
    %swap3A_82 = vector.load %arg15[%swap3A_80, %swap3A_81] : memref<1x64xf32, #tpu.memory_space<vmem>>, vector<1x64xf32>
    tpu.vector_store %arg15[%swap3A_80, %swap3A_81], %add3A_79 {strides = array<i32>} : memref<1x64xf32, #tpu.memory_space<vmem>>, vector<1x64xf32>,
    %get3A_83 = arith.constant 0 : index
    %get3A_84 = arith.constant 0 : index
    %get3A_85 = vector.load %arg16[%get3A_83, %get3A_84] : memref<1x64xf32, #tpu.memory_space<vmem>>, vector<1x64xf32>
    %mul3A_86 = arith.mulf %max3A_70, %max3A_70 : vector<5000x64xf32>
    %reduce_sum3A_87 = arith.constant dense<0.000000e+00> : vector<64xf32>
    %reduce_sum3A_88 = vector.multi_reduction <add>, %mul3A_86, %reduce_sum3A_87 [0] : vector<5000x64xf32> to vector<64xf32>
    %broadcast_in_dim3A_89 = vector.shape_cast %reduce_sum3A_88 : vector<64xf32> to vector<1x64xf32>
    %add3A_90 = arith.addf %get3A_85, %broadcast_in_dim3A_89 : vector<1x64xf32>
    %swap3A_91 = arith.constant 0 : index
    %swap3A_92 = arith.constant 0 : index
    %swap3A_93 = vector.load %arg16[%swap3A_91, %swap3A_92] : memref<1x64xf32, #tpu.memory_space<vmem>>, vector<1x64xf32>
    tpu.vector_store %arg16[%swap3A_91, %swap3A_92], %add3A_90 {strides = array<i32>} : memref<1x64xf32, #tpu.memory_space<vmem>>, vector<1x64xf32>,
    return
  }
  func.func @transform_0(%arg0: i32) -> (i32, i32) {
    %c0_i32 = arith.constant 0 : i32
    %c0_i32_0 = arith.constant 0 : i32
    return %arg0, %c0_i32 : i32, i32
  }
  func.func @transform_1(%arg0: i32) -> (i32, i32) {
    %c0_i32 = arith.constant 0 : i32
    %c0_i32_0 = arith.constant 0 : i32
    return %arg0, %c0_i32 : i32, i32
  }
  func.func @transform_2(%arg0: i32) -> (i32, i32) {
    %c0_i32 = arith.constant 0 : i32
    %c0_i32_0 = arith.constant 0 : i32
    return %arg0, %c0_i32 : i32, i32
  }
  func.func @transform_3(%arg0: i32) -> (i32, i32) {
    %c0_i32 = arith.constant 0 : i32
    %c0_i32_0 = arith.constant 0 : i32
    return %arg0, %c0_i32 : i32, i32
  }
  func.func @transform_4(%arg0: i32) -> (i32, i32) {
    %c0_i32 = arith.constant 0 : i32
    %c0_i32_0 = arith.constant 0 : i32
    return %arg0, %c0_i32 : i32, i32
  }
  func.func @transform_5(%arg0: i32) -> (i32, i32) {
    %c0_i32 = arith.constant 0 : i32
    %c0_i32_0 = arith.constant 0 : i32
    %c0_i32_1 = arith.constant 0 : i32
    return %c0_i32, %c0_i32_0 : i32, i32
  }
  func.func @transform_6(%arg0: i32) -> (i32, i32) {
    %c0_i32 = arith.constant 0 : i32
    %c0_i32_0 = arith.constant 0 : i32
    %c0_i32_1 = arith.constant 0 : i32
    return %c0_i32, %c0_i32_0 : i32, i32
  }
  func.func @transform_7(%arg0: i32) -> (i32, i32) {
    %c0_i32 = arith.constant 0 : i32
    %c0_i32_0 = arith.constant 0 : i32
    %c0_i32_1 = arith.constant 0 : i32
    return %c0_i32, %c0_i32_0 : i32, i32
  }
  func.func @transform_8(%arg0: i32) -> (i32, i32) {
    %c0_i32 = arith.constant 0 : i32
    %c0_i32_0 = arith.constant 0 : i32
    %c0_i32_1 = arith.constant 0 : i32
    return %c0_i32, %c0_i32_0 : i32, i32
  }
  func.func @transform_9(%arg0: i32) -> (i32, i32) {
    %c0_i32 = arith.constant 0 : i32
    %c0_i32_0 = arith.constant 0 : i32
    %c0_i32_1 = arith.constant 0 : i32
    return %c0_i32, %c0_i32_0 : i32, i32
  }
  func.func @transform_10(%arg0: i32) -> (i32, i32) {
    %c0_i32 = arith.constant 0 : i32
    %c0_i32_0 = arith.constant 0 : i32
    %c0_i32_1 = arith.constant 0 : i32
    return %c0_i32, %c0_i32_0 : i32, i32
  }
  func.func @transform_11(%arg0: i32) -> (i32, i32) {
    %c0_i32 = arith.constant 0 : i32
    %c0_i32_0 = arith.constant 0 : i32
    %c0_i32_1 = arith.constant 0 : i32
    return %c0_i32, %c0_i32_0 : i32, i32
  }
  func.func @transform_12(%arg0: i32) -> (i32, i32) {
    %c0_i32 = arith.constant 0 : i32
    %c0_i32_0 = arith.constant 0 : i32
    %c0_i32_1 = arith.constant 0 : i32
    return %c0_i32, %c0_i32_0 : i32, i32
  }
  func.func @transform_13(%arg0: i32) -> (i32, i32) {
    %c0_i32 = arith.constant 0 : i32
    %c0_i32_0 = arith.constant 0 : i32
    return %arg0, %c0_i32 : i32, i32
  }
  func.func @transform_14(%arg0: i32) -> (i32, i32) {
    %c0_i32 = arith.constant 0 : i32
    %c0_i32_0 = arith.constant 0 : i32
    %c0_i32_1 = arith.constant 0 : i32
    return %c0_i32, %c0_i32_0 : i32, i32
  }
  func.func @transform_15(%arg0: i32) -> (i32, i32) {
    %c0_i32 = arith.constant 0 : i32
    %c0_i32_0 = arith.constant 0 : i32
    %c0_i32_1 = arith.constant 0 : i32
    return %c0_i32, %c0_i32_0 : i32, i32
  }
}

module attributes {stable_mosaic.version = 14 : i64} {
  func.func @_k4(%arg0: i32, %arg1: memref<5000x64xf32, #tpu.memory_space<vmem>>, %arg2: memref<1x64xf32, #tpu.memory_space<vmem>>, %arg3: memref<1x64xf32, #tpu.memory_space<vmem>>, %arg4: memref<1x64xf32, #tpu.memory_space<vmem>>, %arg5: memref<1x64xf32, #tpu.memory_space<vmem>>, %arg6: memref<64x40xf32, #tpu.memory_space<vmem>>, %arg7: memref<1x40xf32, #tpu.memory_space<vmem>>, %arg8: memref<5000x40xf32, #tpu.memory_space<vmem>>) attributes {dimension_semantics = [#tpu.dimension_semantics<arbitrary>], iteration_bounds = array<i64: 10>, scalar_prefetch = 0 : i64, scratch_operands = 0 : i64, tpu.core_type = #tpu.core_type<tc>, window_params = [{transform_indices = @transform_0, window_bounds = array<i64: 5000, 64>}, {pipeline_mode = #tpu.pipeline_mode<synchronous>, transform_indices = @transform_1, window_bounds = array<i64: 1, 64>}, {pipeline_mode = #tpu.pipeline_mode<synchronous>, transform_indices = @transform_2, window_bounds = array<i64: 1, 64>}, {pipeline_mode = #tpu.pipeline_mode<synchronous>, transform_indices = @transform_3, window_bounds = array<i64: 1, 64>}, {pipeline_mode = #tpu.pipeline_mode<synchronous>, transform_indices = @transform_4, window_bounds = array<i64: 1, 64>}, {pipeline_mode = #tpu.pipeline_mode<synchronous>, transform_indices = @transform_5, window_bounds = array<i64: 64, 40>}, {pipeline_mode = #tpu.pipeline_mode<synchronous>, transform_indices = @transform_6, window_bounds = array<i64: 1, 40>}, {transform_indices = @transform_7, window_bounds = array<i64: 5000, 40>}]} {
    %get3A = arith.constant 0 : index
    %get3A_0 = arith.constant 0 : index
    %get3A_1 = vector.load %arg2[%get3A, %get3A_0] : memref<1x64xf32, #tpu.memory_space<vmem>>, vector<1x64xf32>
    %get3A_2 = arith.constant 0 : index
    %get3A_3 = arith.constant 0 : index
    %get3A_4 = vector.load %arg3[%get3A_2, %get3A_3] : memref<1x64xf32, #tpu.memory_space<vmem>>, vector<1x64xf32>
    %get3A_5 = arith.constant 0 : index
    %get3A_6 = arith.constant 0 : index
    %get3A_7 = vector.load %arg4[%get3A_5, %get3A_6] : memref<1x64xf32, #tpu.memory_space<vmem>>, vector<1x64xf32>
    %get3A_8 = arith.constant 0 : index
    %get3A_9 = arith.constant 0 : index
    %get3A_10 = vector.load %arg5[%get3A_8, %get3A_9] : memref<1x64xf32, #tpu.memory_space<vmem>>, vector<1x64xf32>
    %div3A = arith.constant 5.000000e+04 : f32
    %div3A_11 = vector.broadcast %div3A : f32 to vector<1x64xf32>
    %div3A_12 = arith.divf %get3A_1, %div3A_11 : vector<1x64xf32>
    %div3A_13 = arith.constant 5.000000e+04 : f32
    %div3A_14 = vector.broadcast %div3A_13 : f32 to vector<1x64xf32>
    %div3A_15 = arith.divf %get3A_4, %div3A_14 : vector<1x64xf32>
    %mul3A = arith.mulf %div3A_12, %div3A_12 : vector<1x64xf32>
    %sub3A = arith.subf %div3A_15, %mul3A : vector<1x64xf32>
    %add3A = arith.constant 9.99999974E-6 : f32
    %add3A_16 = vector.broadcast %add3A : f32 to vector<1x64xf32>
    %add3A_17 = arith.addf %sub3A, %add3A_16 : vector<1x64xf32>
    %rsqrt3A = math.rsqrt %add3A_17 : vector<1x64xf32>
    %mul3A_18 = arith.mulf %get3A_7, %rsqrt3A : vector<1x64xf32>
    %mul3A_19 = arith.mulf %div3A_12, %mul3A_18 : vector<1x64xf32>
    %sub3A_20 = arith.subf %get3A_10, %mul3A_19 : vector<1x64xf32>
    %get3A_21 = arith.constant 0 : index
    %get3A_22 = arith.constant 0 : index
    %get3A_23 = vector.load %arg1[%get3A_21, %get3A_22] : memref<5000x64xf32, #tpu.memory_space<vmem>>, vector<5000x64xf32>
    %mul3A_24 = vector.broadcast %mul3A_18 : vector<1x64xf32> to vector<5000x64xf32>
    %mul3A_25 = arith.mulf %get3A_23, %mul3A_24 : vector<5000x64xf32>
    %add3A_26 = vector.broadcast %sub3A_20 : vector<1x64xf32> to vector<5000x64xf32>
    %add3A_27 = arith.addf %mul3A_25, %add3A_26 : vector<5000x64xf32>
    %get3A_28 = arith.constant 0 : index
    %get3A_29 = arith.constant 0 : index
    %get3A_30 = vector.load %arg6[%get3A_28, %get3A_29] : memref<64x40xf32, #tpu.memory_space<vmem>>, vector<64x40xf32>
    %dot_general3A = arith.constant dense<0.000000e+00> : vector<5000x40xf32>
    %dot_general3A_31 = tpu.matmul %add3A_27, %get3A_30, %dot_general3A {dimension_numbers = #tpu.dot_dimension_numbers<[1], [0], [0], [1], [0, 0, 1, 1], [], []>, transpose_lhs_hint = false} : vector<5000x64xf32>, vector<64x40xf32>, vector<5000x40xf32> -> vector<5000x40xf32>
    %get3A_32 = arith.constant 0 : index
    %get3A_33 = arith.constant 0 : index
    %get3A_34 = vector.load %arg7[%get3A_32, %get3A_33] : memref<1x40xf32, #tpu.memory_space<vmem>>, vector<1x40xf32>
    %add3A_35 = vector.broadcast %get3A_34 : vector<1x40xf32> to vector<5000x40xf32>
    %add3A_36 = arith.addf %dot_general3A_31, %add3A_35 : vector<5000x40xf32>
    %swap3A = arith.constant 0 : index
    %swap3A_37 = arith.constant 0 : index
    %swap3A_38 = vector.load %arg8[%swap3A, %swap3A_37] : memref<5000x40xf32, #tpu.memory_space<vmem>>, vector<5000x40xf32>
    tpu.vector_store %arg8[%swap3A, %swap3A_37], %add3A_36 {strides = array<i32>} : memref<5000x40xf32, #tpu.memory_space<vmem>>, vector<5000x40xf32>,
    return
  }
  func.func @transform_0(%arg0: i32) -> (i32, i32) {
    %c0_i32 = arith.constant 0 : i32
    %c0_i32_0 = arith.constant 0 : i32
    return %arg0, %c0_i32 : i32, i32
  }
  func.func @transform_1(%arg0: i32) -> (i32, i32) {
    %c0_i32 = arith.constant 0 : i32
    %c0_i32_0 = arith.constant 0 : i32
    %c0_i32_1 = arith.constant 0 : i32
    return %c0_i32, %c0_i32_0 : i32, i32
  }
  func.func @transform_2(%arg0: i32) -> (i32, i32) {
    %c0_i32 = arith.constant 0 : i32
    %c0_i32_0 = arith.constant 0 : i32
    %c0_i32_1 = arith.constant 0 : i32
    return %c0_i32, %c0_i32_0 : i32, i32
  }
  func.func @transform_3(%arg0: i32) -> (i32, i32) {
    %c0_i32 = arith.constant 0 : i32
    %c0_i32_0 = arith.constant 0 : i32
    %c0_i32_1 = arith.constant 0 : i32
    return %c0_i32, %c0_i32_0 : i32, i32
  }
  func.func @transform_4(%arg0: i32) -> (i32, i32) {
    %c0_i32 = arith.constant 0 : i32
    %c0_i32_0 = arith.constant 0 : i32
    %c0_i32_1 = arith.constant 0 : i32
    return %c0_i32, %c0_i32_0 : i32, i32
  }
  func.func @transform_5(%arg0: i32) -> (i32, i32) {
    %c0_i32 = arith.constant 0 : i32
    %c0_i32_0 = arith.constant 0 : i32
    %c0_i32_1 = arith.constant 0 : i32
    return %c0_i32, %c0_i32_0 : i32, i32
  }
  func.func @transform_6(%arg0: i32) -> (i32, i32) {
    %c0_i32 = arith.constant 0 : i32
    %c0_i32_0 = arith.constant 0 : i32
    %c0_i32_1 = arith.constant 0 : i32
    return %c0_i32, %c0_i32_0 : i32, i32
  }
  func.func @transform_7(%arg0: i32) -> (i32, i32) {
    %c0_i32 = arith.constant 0 : i32
    %c0_i32_0 = arith.constant 0 : i32
    return %arg0, %c0_i32 : i32, i32
  }
}

</mosaic_0001>

<sc_bundles>
// kernel: kernel.11.cloned.1.call-start
scs
__scs_entry_jumppad:
0x0: {  	(pc) =	sbr.rel $0x88, $3  }
0x1: {  	(tag) =	ssettag $0x0;
	lr =	simm.s32 $0x1  }
0x2: {  	[smem:$0x3F91] =	sst lr;
	_ =	strace $0xD0000000  }
0x3: {  	_ = 	snop  }
0x4: {  	_ = 	snop  }
0x5: {  	_ = 	snop  }
0x6: {  	_ = 	snop  }
0x7: {  	_ = 	snop  }
__scs_overlays_trampoline_lowered:
0x8: {  	[smem:$0x3FA0] =	sst s0  }
0x9: {  	[smem:$0x3FA1] =	sst s1  }
0xa: {  	[smem:$0x3FA2] =	sst s2  }
0xb: {  	[smem:$0x3FA3] =	sst s3  }
0xc: {  	[smem:$0x3FA4] =	sst s4  }
0xd: {  	[smem:$0x3FA5] =	sst s5  }
0xe: {  	[smem:$0x3FA6] =	sst s6  }
0xf: {  	[smem:$0x3FA7] =	sst s7  }
0x10: {  	[smem:$0x3FA8] =	sst s8  }
0x11: {  	[smem:$0x3FA9] =	sst s9;
	s0 =	simm.s32 @!p0 $0x0  }
0x12: {  	s1 =	sld [smem:$0x3F8F];
	s0 =	simm.s32 @p0 $0x1  }
0x13: {  	[smem:$0x3FAA] =	sst s0;
	s0 =	simm.s32 @!p1 $0x0  }
0x14: {  	s2 =	sld [smem:$0x3F8E];
	s0 =	simm.s32 @p1 $0x1  }
0x15: {  	[smem:$0x3FAB] =	sst s0;
	s0 =	simm.s32 @!p2 $0x0  }
0x16: {  	s3 =	sld [smem:$0x3FDB];
	s0 =	simm.s32 @p2 $0x1  }
0x17: {  	s4 =	simm.s32 $0x1BF5;
	[smem:$0x3FAD] =	sst s0  }
0x18: {  	s0 =	sld [smem:$0x3F90];
	_ =	swait.ge [sflag:s4], $0x0  }
0x19: {  	s7 =	sld [smem:$0x3F91]  }
0x1a: {  	s8 =	sadd.s32 $0xFFFFE003, lr  }
0x1b: {  	s9 =	sadd.s32 $0xFFFFFEF7, lr;
	s5 =	simm.s32 $0xFFFFFFFF;
	p2 =	slt.u32 s8, $0xFFFFF086  }
0x1c: {  	p1 =	slt.u32 s9, $0xF7A;
	s5 =	simm.s32 @!p2 $0x0  }
0x1d: {  	s5 =	simm.s32 @p1 $0x1;
	p0 =	seq.s32 s7, s2  }
0x1e: {  	s7 =	smul.u32 @!p0 $0xF7A, s2;
	p2 =	seq.s32 @!p0 s5, $0x0  }
0x1f: {  	s9 =	smul.u32 $0xF7A, s1;
	s8 =	simm.s32 @!p0 $0x1BF5;
	p2 =	por !p2, p0  }
0x20: {  	[sflag:s8] =	ssyncset.s32 @!p0 $0xFFFFF086;
	s6 =	sadd.s32 @!p0 s3, s7;
	s7 =	simm.s32 @!p0 $0x108  }
0x21: {  	s3 =	sadd.s32 s3, s9;
	s6 =	sadd.s32 @!p0 $0x88, s6;
	s7 =	simm.s32 @p2 $0x1082  }
0x22: {  	[simem:s7], [sflag:s8] =	dma.local @!p0 [hbm:s6], $0xF7A  }
0x23: {  	s9 =	sor.u32 $0xD0000000, s2;
	s6 =	simm.s32 $0x108;
	_ =	swait.ge @!p0 [sflag:s8], $0x0  }
0x24: {  	s3 =	sadd.s32 $0x88, s3;
	s6 =	simm.s32 @!p1 $0x1082;
	[sflag:s4] =	ssyncset.s32 $0xFFFFF086  }
0x25: {  	[simem:s6], [sflag:s4] =	dma.local [hbm:s3], $0xF7A  }
0x26: {  	[smem:$0x3F91] =	sst s1;
	(tag) =	ssettag s2;
	_ =	strace s9  }
0x27: {  	s1 =	sld [smem:$0x3FA1]  }
0x28: {  	s2 =	sld [smem:$0x3FA2]  }
0x29: {  	s4 =	sld [smem:$0x3FA4]  }
0x2a: {  	p0 =	seq.s32 s5, $0x0;
	s5 =	sld [smem:$0x3FA5]  }
0x2b: {  	s6 =	sld [smem:$0x3FA6]  }
0x2c: {  	s7 =	sld [smem:$0x3FA7]  }
0x2d: {  	s3 =	simm.s32 $0x108;
	s8 =	sld [smem:$0x3FA8]  }
0x2e: {  	s3 =	simm.s32 @!p0 $0x1082;
	s9 =	sld [smem:$0x3FA9]  }
0x2f: {  	lr =	sadd.s32 s0, s3;
	s0 =	sld [smem:$0x3FA0]  }
0x30: {  	s3 =	sld [smem:$0x3FA3]  }
0x31: {  	[smem:$0x3FAC] =	sst s10  }
0x32: {  	s10 =	sld [smem:$0x3FAA];
	_ =	sdelay $0x3  }
0x33: {  	p0 =	seq.s32 s10, $0x1;
	s10 =	sld [smem:$0x3FAC];
	_ =	sdelay $0x3  }
0x34: {  	[smem:$0x3FAC] =	sst s10  }
0x35: {  	s10 =	sld [smem:$0x3FAB];
	_ =	sdelay $0x3  }
0x36: {  	p1 =	seq.s32 s10, $0x1;
	s10 =	sld [smem:$0x3FAC];
	_ =	sdelay $0x3  }
0x37: {  	[smem:$0x3FAC] =	sst s10  }
0x38: {  	s10 =	sld [smem:$0x3FAD]  }
0x39: {  	_ = 	snop;
	(pc) =	sbr.ind lr, $3  }
0x3a: {  	_ = 	snop  }
0x3b: {  	_ = 	snop  }
0x3c: {  	p2 =	seq.s32 s10, $0x1;
	s10 =	sld [smem:$0x3FAC]  }
0x3d: {  	_ =	shalt  }
0x3e: {  	_ =	shalt  }
0x3f: {  	_ =	shalt  }
0x40: {  	_ =	shalt  }
0x41: {  	_ =	shalt  }
0x42: {  	_ =	shalt  }
0x43: {  	_ =	shalt  }
0x44: {  	_ =	shalt  }
0x45: {  	_ =	shalt  }
0x46: {  	_ =	shalt  }
0x47: {  	_ =	shalt  }
0x48: {  	_ =	shalt  }
0x49: {  	_ =	shalt  }
0x4a: {  	_ =	shalt  }
0x4b: {  	_ =	shalt  }
0x4c: {  	_ =	shalt  }
0x4d: {  	_ =	shalt  }
0x4e: {  	_ =	shalt  }
0x4f: {  	_ =	shalt  }
0x50: {  	_ =	shalt  }
0x51: {  	_ =	shalt  }
0x52: {  	_ =	shalt  }
0x53: {  	_ =	shalt  }
0x54: {  	_ =	shalt  }
0x55: {  	_ =	shalt  }
0x56: {  	_ =	shalt  }
0x57: {  	_ =	shalt  }
0x58: {  	_ =	shalt  }
0x59: {  	_ =	shalt  }
0x5a: {  	_ =	shalt  }
0x5b: {  	_ =	shalt  }
0x5c: {  	_ =	shalt  }
0x5d: {  	_ =	shalt  }
0x5e: {  	_ =	shalt  }
0x5f: {  	_ =	shalt  }
0x60: {  	_ =	shalt  }
0x61: {  	_ =	shalt  }
0x62: {  	_ =	shalt  }
0x63: {  	_ =	shalt  }
0x64: {  	_ =	shalt  }
0x65: {  	_ =	shalt  }
0x66: {  	_ =	shalt  }
0x67: {  	_ =	shalt  }
0x68: {  	_ =	shalt  }
0x69: {  	_ =	shalt  }
0x6a: {  	_ =	shalt  }
0x6b: {  	_ =	shalt  }
0x6c: {  	_ =	shalt  }
0x6d: {  	_ =	shalt  }
0x6e: {  	_ =	shalt  }
0x6f: {  	_ =	shalt  }
0x70: {  	_ =	shalt  }
0x71: {  	_ =	shalt  }
0x72: {  	_ =	shalt  }
0x73: {  	_ =	shalt  }
0x74: {  	_ =	shalt  }
0x75: {  	_ =	shalt  }
0x76: {  	_ =	shalt  }
0x77: {  	_ =	shalt  }
0x78: {  	_ =	shalt  }
0x79: {  	_ =	shalt  }
0x7a: {  	_ =	shalt  }
0x7b: {  	_ =	shalt  }
0x7c: {  	_ =	shalt  }
0x7d: {  	_ =	shalt  }
0x7e: {  	_ =	shalt  }
0x7f: {  	_ =	shalt  }
0x80: {  	_ =	shalt  }
0x81: {  	_ =	shalt  }
0x82: {  	_ =	shalt  }
0x83: {  	_ =	shalt  }
0x84: {  	_ =	shalt  }
0x85: {  	_ =	shalt  }
0x86: {  	_ =	shalt  }
0x87: {  	_ =	shalt  }
.Lfunc_end0:
.L_simem_size_0:
called_computation.1_lowered:
.L_overlay_start_0:
0x88: {  	s2 =	sld [smem:$0x3FD9]  }
0x89: {  	s3 =	sld [smem:$0x3FFE];
	_ =	sdelay $0x1  }
0x8a: {  	s1 =	srdreg.scid  }
0x8b: {  	s0 =	sand.u32 $0x1, s1  }
0x8c: {  	s17 =	sshll.u32 s0, $0xA;
	s2 =	sadd.s32 s3, s2  }
0x8d: {  	s2 =	sadd.s32 s2, s17  }
0x8e: {  	[smem:$0x3FB8] =	sst s2  }
0x8f: {  	_ = 	snop  }
0x90: {  	s2 =	sld [smem:$0x3FD0];
	(tm) =	ssettm $0x1  }
0x91: {  	s18 =	sld [smem:$0x3FFB];
	_ =	sdelay $0x3  }
0x92: {  	_ =	strace s18  }
0x93: {  	s3 =	sld [smem:$0x3FFC];
	_ =	sdelay $0x3  }
0x94: {  	_ =	strace s3  }
0x95: {  	s3 =	sld [smem:$0x3FFD];
	_ =	sdelay $0x3  }
0x96: {  	_ =	strace s3  }
0x97: {  	_ =	strace $0x8FFFFFFF  }
0x98: {  	s19 =	sld [smem:$0x3FDB];
	_ =	sdelay $0x1  }
0x99: {  	s4 =	simm.s32 $_scs_section_size  }
0x9a: {  	s5 =	simm.s32 $_size__tile_overlayer_lowered;
	s6 =	simm.s32 $_tile_overlayer_lowered  }
0x9b: {  	s22 =	simm.s32 $0x1BFF;
	s21 =	sshll.u32 s6, $0x1;
	s3 =	sadd.s32 s4, s19  }
0x9c: {  	s7 =	simm.s32 $0x0;
	s20 =	sshll.u32 s5, $0x1;
	s5 =	sadd.s32 s21, s3  }
0x9d: {  	[timem:s7], [sflag:s22] =	dma.local [hbm:s5], s20  }
0x9e: {  	_ =	swait.ge [sflag:s22], s20  }
0x9f: {  	s4 =	ssub.s32 $0x0, s20;
	[sflag:s22] =	ssyncset.done $0x0  }
0xa0: {  	[sflag:s22] =	ssyncadd.s32 s4;
	_ =	sdelay $0x1  }
0xa1: {  	s23 =	simm.s32 $0x1B8B  }
0xa2: {  	_ =	swait.ge [sflag:s23], $0x1  }
0xa3: {  	[sflag:s23] =	ssyncset.done $0x0  }
0xa4: {  	s25 =	simm.s32 $0x1B8E;
	s24 =	sld [smem:$0x3FFE];
	[sflag:s23] =	ssyncadd.s32 $0xFFFFFFFF  }
0xa5: {  	s26 =	simm.s32 $execute0_lowered;
	[smem:$0x3FD2] =	sst s25  }
0xa6: {  	s5 =	sshll.u32 s26, $0x1;
	_ =	strace $0x80000049;
	[dreg:$0x1] =	wrdreg $0xFFFFFFFF  }
0xa7: {  	s28 =	simm.s32 $_size_execute0_lowered;
	s3 =	sadd.s32 s3, s5;
	[dreg:$0x0] =	wrdreg $0x0  }
0xa8: {  	s5 =	sshll.u32 s28, $0x1;
	[dreg:$0x2] =	wrdreg s3  }
0xa9: {  	[dreg:$0x3] =	wrdreg s5  }
0xaa: {  	[dreg:$0x4] =	wrdreg $0xC0  }
0xab: {  	_ =	task [dreg:s7], $0x5FFFF  }
0xac: {  	[dreg:$0x1] =	wrdreg $0xFFFFFFFF  }
0xad: {  	[dreg:$0x0] =	wrdreg $0x60  }
0xae: {  	[dreg:$0x2] =	wrdreg s24  }
0xaf: {  	[dreg:$0x3] =	wrdreg s2  }
0xb0: {  	[dreg:$0x4] =	wrdreg $0x0  }
0xb1: {  	[dreg:$0x5] =	wrdreg $0x9  }
0xb2: {  	_ =	task.clear_ibuf [dreg:s7], $0x6FFFF;
	_ =	strace $0x90000049  }
0xb3: {  	s29 =	simm.s32 $0x9;
	_ =	strace $0x8000004B  }
0xb4: {  	_ =	swait.ge [sflag:s29], $0x1  }
0xb5: {  	[sflag:s29] =	ssyncadd.s32 $0xFFFFFFFF  }
0xb6: {  	_ =	strace $0x9000004B  }
0xb7: {  	_ =	sfence  }
0xb8: {  	s30 =	sld [smem:$0x0];
	_ =	sdelay $0x2  }
0xb9: {  	s31 =	sshll.u32 s1, $0xD;
	s1 =	sshrl.u32 s1, $0x2  }
0xba: {  	s3 =	sand.u32 $0x4000, s31;
	s1 =	sadd.s32 s1, s30  }
0xbb: {  	s0 =	sor.u32 s3, s0;
	s1 =	sshll.u32 s1, $0x11  }
0xbc: {  	s0 =	sor.u32 s1, s0  }
0xbd: {  	s0 =	sadd.s32 $0x8F2B, s0  }
0xbe: {  	[sflag:s0] =	ssyncadd.remote.s32 $0x1  }
0xbf: {  	_ =	sfence.sel $0xFFFF  }
0xc0: {  	[dreg:$0x0] =	wrdreg $0xFFFFFFFF;
	(pc) =	sbr.abs _section_cstart, $3  }
0xc1: {  	[dreg:$0x1] =	wrdreg $0xFFFFFFFF  }
0xc2: {  	_ =	task.clear_ibuf [dreg:s7], $0x2FFFF;
	_ =	strace $0x9FFFFFFF  }
0xc3: {  	(tm) =	ssettm $0x7FFFFFFF  }
tec
execute0_lowered:
.L_overlay_start_1:
0x0: {  	(tag) =	ssettag $0x1  }
0x1: {  	s5 =	rddreg [dreg:$0x0]  }
0x2: {  	s14 =	rddreg [dreg:$0x1]  }
0x3: {  	s1 =	rddreg [dreg:$0x2]  }
0x4: {  	s3 =	srdreg.scid;
	s0 =	rddreg [dreg:$0x3]  }
0x5: {  	s2 =	simm.s32 $0x0;
	s20 =	simm.s32 $0x190;
	s21 =	simm.s32 $0x18D40  }
0x6: {  	s22 =	simm.s32 $0x18890;
	s23 =	simm.s32 $0x18BB0;
	s24 =	simm.s32 $0x1BF40  }
0x7: {  	s25 =	simm.s32 $0x1;
	s26 =	simm.s32 $0x2;
	s28 =	simm.s32 $0x0  }
0x8: {  	s12 =	sand.u32 $0x1, s3;
	[smem:$0x7FF] =	sst s2;
	s3 =	stileid.u32  }
0x9: {  	s15 =	sadd.s32 $0x3600, s5;
	s13 =	sadd.s32 $0x28CC00, s5;
	s4 =	smul.u32 $0x30D40, s12  }
0xa: {  	_ =	strace $0x8000004A;
	s6 =	smul.u32 $0xC350, s3;
	s30 =	ssub.s32 $0x2, s12  }
0xb: {  	s16 =	smul.u32 $0x18700, s3;
	s31 =	sshll.u32 s3, $0x6;
	p0 =	seq.s32 s12, $0x1  }
0xc: {  	s19 =	smul.u32 $0x186A, s3;
	s7 =	sshrl.u32 s30, $0x1;
	s14 =	smov.u32 @p0 s13  }
0xd: {  	s8 =	sadd.s32 s4, s5;
	s4 =	sadd.s32 $0x34400, s5;
	s6 =	sshrl.u32 s6, $0x3  }
0xe: {  	s17 =	ssub.s32 s30, s7;
	s18 =	sadd.s32 s16, s1;
	s16 =	sshrl.u32 s16, $0x3  }
0xf: {  	s5 =	sadd.s32 s15, s6;
	s6 =	sor.u32 $0x1C03, s31;
	s8 =	sadd.s32 $0x413600, s8  }
0x10: {  	s13 =	smax.u32 s17, $0x1;
	s14 =	sadd.s32 s14, s16;
	s15 =	sadd.s32 s19, s15  }
0x11: {  	s16 =	sshrl.u32 s18, $0x3;
	s17 =	simm.s32 $0x3;
	s18 =	simm.s32 $0x18700  }
0x12: {  	s19 =	simm.s32 $0x18A20;
	s7 =	sadd.s32 $0x186A0, s5;
	s9 =	sadd.s32 $0x32, s5  }
0x13: {  	s10 =	sadd.s32 $0x186D2, s5;
	s11 =	sadd.s32 $0x1838, s5;
	s12 =	sadd.s32 $0x19ED8, s5  }
.LBB2_1:
0x14: {  	[spmem:s16], [sflag:s6] =	dma.local [hbm:s4], $0x30E0  }
0x15: {  	_ =	swait.ge [sflag:s17], $0x30E0  }
0x16: {  	[sflag:s17] =	ssyncset.done $0x0  }
0x17: {  	[sflag:s17] =	ssyncadd.s32 $0xFFFFCF20  }
0x18: {  	[bflag:$0x0] =	sbarrier.arrive $0xFFFF  }
0x19: {  	[tilespmem:s18], [sflag:$0x3] =	stream.linear.gather [hbm4b:s5+s2], $0x190, $0x38;
	[tilespmem:$0x1F140] =	vst v63  }
0x1a: {  	_ =	swait.ge [sflag:s17], $0x190  }
0x1b: {  	[sflag:s17] =	ssyncset.done $0x0  }
0x1c: {  	[sflag:s17] =	ssyncadd.s32 $0xFFFFFE70  }
0x1d: {  	[tilespmem:s19], [sflag:$0x3] =	stream.linear.gather [hbm4b:s7+s2], $0x190, $0x38;
	[tilespmem:$0x1F140] =	vst v63  }
0x1e: {  	_ =	swait.ge [sflag:s17], $0x190  }
0x1f: {  	[sflag:s17] =	ssyncset.done $0x0  }
0x20: {  	[sflag:s17] =	ssyncadd.s32 $0xFFFFFE70  }
0x21: {  	[tilespmem:s21], [sflag:$0x1] =	stream.indirect.gather [hbm4b:s8+s20], $0x20, s18, s20, $0xb8;
	[tilespmem:$0x1F140] =	vst v63  }
0x22: {  	_ = 	snop  }
0x23: {  	[tilespmem:s22], [sflag:$0x3] =	stream.linear.gather [hbm4b:s9+s2], $0x190, $0x38;
	[tilespmem:$0x1F140] =	vst v63  }
0x24: {  	_ =	swait.ge [sflag:s17], $0x190  }
0x25: {  	[sflag:s17] =	ssyncset.done $0x0  }
0x26: {  	[sflag:s17] =	ssyncadd.s32 $0xFFFFFE70  }
0x27: {  	[tilespmem:s23], [sflag:$0x3] =	stream.linear.gather [hbm4b:s10+s2], $0x190, $0x38;
	[tilespmem:$0x1F140] =	vst v63  }
0x28: {  	_ =	swait.ge [sflag:s17], $0x190  }
0x29: {  	[sflag:s17] =	ssyncset.done $0x0  }
0x2a: {  	[sflag:s17] =	ssyncadd.s32 $0xFFFFFE70  }
0x2b: {  	[tilespmem:s24], [sflag:$0x2] =	stream.indirect.gather [hbm4b:s8+s20], $0x20, s22, s20, $0xb8;
	[tilespmem:$0x1F140] =	vst v63  }
0x2c: {  	_ =	swait.ge [sflag:s25], $0x3200  }
0x2d: {  	[sflag:s25] =	ssyncset.done $0x0  }
0x2e: {  	[sflag:s25] =	ssyncadd.s32 $0xFFFFCE00  }
0x2f: {  	[spmem:s1] =	stream.indirect.scatter.add.f32 [tilespmem:s21], [sflag:$0x3], $0x20, s19, s20, $0xb8;
	[tilespmem:$0x1F140] =	vst v63  }
0x30: {  	_ =	swait.ge [sflag:s17], $0x3200  }
0x31: {  	s29 =	sadd.s32 $0xFFFFE82C, s15;
	[sflag:s17] =	ssyncset.done $0x0  }
0x32: {  	s30 =	sadd.s32 $0x1838, s29;
	[sflag:s17] =	ssyncadd.s32 $0xFFFFCE00  }
0x33: {  	[tilespmem:s18], [sflag:$0x3] =	stream.linear.gather [hbm4b:s30+s2], $0x190, $0x38;
	[tilespmem:$0x1F140] =	vst v63  }
0x34: {  	_ =	swait.ge [sflag:s17], $0x190  }
0x35: {  	[sflag:s17] =	ssyncset.done $0x0  }
0x36: {  	s31 =	sadd.s32 $0x19ED8, s29;
	[sflag:s17] =	ssyncadd.s32 $0xFFFFFE70  }
0x37: {  	[tilespmem:s19], [sflag:$0x3] =	stream.linear.gather [hbm4b:s31+s2], $0x190, $0x38;
	[tilespmem:$0x1F140] =	vst v63  }
0x38: {  	_ =	swait.ge [sflag:s17], $0x190  }
0x39: {  	[sflag:s17] =	ssyncset.done $0x0  }
0x3a: {  	[sflag:s17] =	ssyncadd.s32 $0xFFFFFE70  }
0x3b: {  	[tilespmem:s21], [sflag:$0x1] =	stream.indirect.gather [hbm4b:s8+s20], $0x20, s18, s20, $0xb8;
	[tilespmem:$0x1F140] =	vst v63  }
0x3c: {  	_ =	swait.ge [sflag:s26], $0x3200  }
0x3d: {  	[sflag:s26] =	ssyncset.done $0x0  }
0x3e: {  	[sflag:s26] =	ssyncadd.s32 $0xFFFFCE00  }
0x3f: {  	[spmem:s1] =	stream.indirect.scatter.add.f32 [tilespmem:s24], [sflag:$0x3], $0x20, s23, s20, $0xb8;
	[tilespmem:$0x1F140] =	vst v63  }
0x40: {  	_ =	swait.ge [sflag:s17], $0x3200  }
0x41: {  	[sflag:s17] =	ssyncset.done $0x0  }
0x42: {  	s31 =	sadd.s32 $0x186A, s29;
	[sflag:s17] =	ssyncadd.s32 $0xFFFFCE00  }
0x43: {  	[tilespmem:s22], [sflag:$0x3] =	stream.linear.gather [hbm4b:s31+s2], $0x190, $0x38;
	[tilespmem:$0x1F140] =	vst v63  }
0x44: {  	_ =	swait.ge [sflag:s17], $0x190  }
0x45: {  	[sflag:s17] =	ssyncset.done $0x0  }
0x46: {  	s29 =	sadd.s32 $0x19F0A, s29;
	[sflag:s17] =	ssyncadd.s32 $0xFFFFFE70  }
0x47: {  	[tilespmem:s23], [sflag:$0x3] =	stream.linear.gather [hbm4b:s29+s2], $0x190, $0x38;
	[tilespmem:$0x1F140] =	vst v63  }
0x48: {  	_ =	swait.ge [sflag:s17], $0x190  }
0x49: {  	[sflag:s17] =	ssyncset.done $0x0  }
0x4a: {  	s29 =	simm.s32 $0xFFFFE890;
	[sflag:s17] =	ssyncadd.s32 $0xFFFFFE70  }
.LBB2_2:
0x4b: {  	[tilespmem:s24], [sflag:$0x2] =	stream.indirect.gather [hbm4b:s8+s20], $0x20, s22, s20, $0xb8;
	[tilespmem:$0x1F140] =	vst v63  }
0x4c: {  	s30 =	smov.u32 s29  }
0x4d: {  	p0 =	sne.s32 s29, $0xFFFFFF9C;
	s29 =	sadd.s32 $0x64, s29;
	_ =	swait.ge [sflag:s25], $0x3200  }
0x4e: {  	[sflag:s25] =	ssyncset.done $0x0  }
0x4f: {  	[sflag:s25] =	ssyncadd.s32 $0xFFFFCE00  }
0x50: {  	[spmem:s1] =	stream.indirect.scatter.add.f32 [tilespmem:s21], [sflag:$0x3], $0x20, s19, s20, $0xb8;
	[tilespmem:$0x1F140] =	vst v63  }
0x51: {  	_ =	swait.ge [sflag:s17], $0x3200  }
0x52: {  	s30 =	sadd.s32 s30, s15;
	[sflag:s17] =	ssyncset.done $0x0  }
0x53: {  	s31 =	sadd.s32 $0x1838, s30;
	[sflag:s17] =	ssyncadd.s32 $0xFFFFCE00  }
0x54: {  	[tilespmem:s18], [sflag:$0x3] =	stream.linear.gather [hbm4b:s31+s2], $0x190, $0x38;
	[tilespmem:$0x1F140] =	vst v63  }
0x55: {  	_ =	swait.ge [sflag:s17], $0x190  }
0x56: {  	[sflag:s17] =	ssyncset.done $0x0  }
0x57: {  	s31 =	sadd.s32 $0x19ED8, s30;
	[sflag:s17] =	ssyncadd.s32 $0xFFFFFE70  }
0x58: {  	[tilespmem:s19], [sflag:$0x3] =	stream.linear.gather [hbm4b:s31+s2], $0x190, $0x38;
	[tilespmem:$0x1F140] =	vst v63  }
0x59: {  	_ =	swait.ge [sflag:s17], $0x190  }
0x5a: {  	[sflag:s17] =	ssyncset.done $0x0  }
0x5b: {  	[sflag:s17] =	ssyncadd.s32 $0xFFFFFE70  }
0x5c: {  	[tilespmem:s21], [sflag:$0x1] =	stream.indirect.gather [hbm4b:s8+s20], $0x20, s18, s20, $0xb8;
	[tilespmem:$0x1F140] =	vst v63  }
0x5d: {  	_ =	swait.ge [sflag:s26], $0x3200  }
0x5e: {  	[sflag:s26] =	ssyncset.done $0x0  }
0x5f: {  	[sflag:s26] =	ssyncadd.s32 $0xFFFFCE00  }
0x60: {  	[spmem:s1] =	stream.indirect.scatter.add.f32 [tilespmem:s24], [sflag:$0x3], $0x20, s23, s20, $0xb8;
	[tilespmem:$0x1F140] =	vst v63  }
0x61: {  	_ =	swait.ge [sflag:s17], $0x3200  }
0x62: {  	[sflag:s17] =	ssyncset.done $0x0  }
0x63: {  	s31 =	sadd.s32 $0x186A, s30;
	[sflag:s17] =	ssyncadd.s32 $0xFFFFCE00  }
0x64: {  	[tilespmem:s22], [sflag:$0x3] =	stream.linear.gather [hbm4b:s31+s2], $0x190, $0x38;
	[tilespmem:$0x1F140] =	vst v63  }
0x65: {  	_ =	swait.ge [sflag:s17], $0x190  }
0x66: {  	[sflag:s17] =	ssyncset.done $0x0  }
.Ltmp0:
0x67: {  	s30 =	sadd.s32 $0x19F0A, s30;
	[sflag:s17] =	ssyncadd.s32 $0xFFFFFE70;
	(pc) =	sbr.rel @p0 .LBB2_2-.Ltmp0, $4  }
0x68: {  	[tilespmem:s23], [sflag:$0x3] =	stream.linear.gather [hbm4b:s30+s2], $0x190, $0x38;
	[tilespmem:$0x1F140] =	vst v63  }
0x69: {  	_ =	swait.ge [sflag:s17], $0x190  }
0x6a: {  	[sflag:s17] =	ssyncset.done $0x0  }
0x6b: {  	[sflag:s17] =	ssyncadd.s32 $0xFFFFFE70  }
0x6c: {  	[tilespmem:s24], [sflag:$0x2] =	stream.indirect.gather [hbm4b:s8+s20], $0x20, s22, s20, $0xb8;
	[tilespmem:$0x1F140] =	vst v63  }
0x6d: {  	_ =	swait.ge [sflag:s25], $0x3200  }
0x6e: {  	[sflag:s25] =	ssyncset.done $0x0  }
0x6f: {  	[sflag:s25] =	ssyncadd.s32 $0xFFFFCE00  }
0x70: {  	[spmem:s1] =	stream.indirect.scatter.add.f32 [tilespmem:s21], [sflag:$0x3], $0x20, s19, s20, $0xb8;
	[tilespmem:$0x1F140] =	vst v63  }
0x71: {  	_ =	swait.ge [sflag:s17], $0x3200  }
0x72: {  	[sflag:s17] =	ssyncset.done $0x0  }
0x73: {  	[sflag:s17] =	ssyncadd.s32 $0xFFFFCE00  }
0x74: {  	[tilespmem:s18], [sflag:$0x3] =	stream.linear.gather [hbm4b:s11+s2], $0x190, $0x38;
	[tilespmem:$0x1F140] =	vst v63  }
0x75: {  	_ =	swait.ge [sflag:s17], $0x190  }
0x76: {  	[sflag:s17] =	ssyncset.done $0x0  }
0x77: {  	[sflag:s17] =	ssyncadd.s32 $0xFFFFFE70  }
0x78: {  	[tilespmem:s19], [sflag:$0x3] =	stream.linear.gather [hbm4b:s12+s2], $0x190, $0x38;
	[tilespmem:$0x1F140] =	vst v63  }
0x79: {  	_ =	swait.ge [sflag:s17], $0x190  }
0x7a: {  	[sflag:s17] =	ssyncset.done $0x0  }
0x7b: {  	[sflag:s17] =	ssyncadd.s32 $0xFFFFFE70  }
0x7c: {  	[tilespmem:s21], [sflag:$0x1] =	stream.indirect.gather [hbm4b:s8+s20], $0x20, s18, s20, $0xb8;
	[tilespmem:$0x1F140] =	vst v63  }
0x7d: {  	_ =	swait.ge [sflag:s26], $0x3200  }
0x7e: {  	[sflag:s26] =	ssyncset.done $0x0  }
0x7f: {  	[sflag:s26] =	ssyncadd.s32 $0xFFFFCE00  }
0x80: {  	[spmem:s1] =	stream.indirect.scatter.add.f32 [tilespmem:s24], [sflag:$0x3], $0x20, s23, s20, $0xb8;
	[tilespmem:$0x1F140] =	vst v63  }
0x81: {  	_ =	swait.ge [sflag:s17], $0x3200  }
0x82: {  	[sflag:s17] =	ssyncset.done $0x0  }
0x83: {  	[sflag:s17] =	ssyncadd.s32 $0xFFFFCE00  }
0x84: {  	_ =	swait.ge [sflag:s25], $0x3200  }
0x85: {  	[sflag:s25] =	ssyncset.done $0x0  }
0x86: {  	[sflag:s25] =	ssyncadd.s32 $0xFFFFCE00  }
0x87: {  	[spmem:s1] =	stream.indirect.scatter.add.f32 [tilespmem:s21], [sflag:$0x3], $0x20, s19, s20, $0xb8;
	[tilespmem:$0x1F140] =	vst v63  }
0x88: {  	_ =	swait.ge [sflag:s17], $0x3200  }
0x89: {  	s28 =	sadd.s32 $0x1, s28;
	[sflag:s17] =	ssyncset.done $0x0  }
0x8a: {  	p0 =	sne.s32 s28, s13;
	[sflag:s17] =	ssyncadd.s32 $0xFFFFCE00  }
.Ltmp1:
0x8b: {  	[bflag:$0x0] =	sbarrier.arrive $0xFFFF;
	(pc) =	sbr.rel @p0 .LBB2_1-.Ltmp1, $4  }
0x8c: {  	[hbm:s14], [sflag:s6] =	dma.local [spmem:s16], $0x30E0  }
0x8d: {  	_ =	swait.ge [sflag:s17], $0x30E0  }
0x8e: {  	[sflag:s17] =	ssyncset.done $0x0  }
0x8f: {  	[sflag:s17] =	ssyncadd.s32 $0xFFFFCF20  }
0x90: {  	_ =	sfence.sel $0x180000  }
0x91: {  	[bflag:$0x0] =	sbarrier.arrive $0xFFFF  }
0x92: {  	p0 =	sne.s32 s3, $0x0;
	_ =	strace $0x9000004A  }
0x93: {  	s0 =	sadd.s32 @!p0 $0x100000, s0;
	[bflag:$0x2] =	sbarrier.arrive $0xFFFF  }
0x94: {  	[sflag:s0] =	ssyncadd.tile.s32 @!p0 $0x1;
	_ =	shalt  }
.Lfunc_end2:
_tile_overlayer_lowered:
.L_overlay_start_2:
0x95: {  	(tag) =	ssettag $0x2  }
0x96: {  	s0 =	rddreg [dreg:$0x0];
	s2 =	stileid.u32  }
0x97: {  	s1 =	rddreg [dreg:$0x1];
	p0 =	sne.s32 s2, $0x0  }
0x98: {  	s3 =	rddreg [dreg:$0x2];
	[bflag:$0x3] =	sbarrier.arrive $0xFFFF;
	s2 =	simm.s32 @!p0 $0x1C03  }
0x99: {  	[timem:s3], [sflag:s2] =	dma.local @!p0 [hbm:s0], s1  }
0x9a: {  	s0 =	simm.s32 @!p0 $0x3  }
0x9b: {  	_ =	swait.ge @!p0 [sflag:s0], s1  }
0x9c: {  	s1 =	ssub.s32 @!p0 $0x0, s1;
	[sflag:s0] =	ssyncset.done @!p0 $0x0  }
0x9d: {  	[sflag:s0] =	ssyncadd.s32 @!p0 s1  }
0x9e: {  	[bflag:$0x3] =	sbarrier.arrive $0xFFFF  }
0x9f: {  	_ =	shalt  }

// kernel: kernel.8.cloned.1.call-start
scs
__scs_entry_jumppad:
0x0: {  	(pc) =	sbr.rel $0x88, $3  }
0x1: {  	(tag) =	ssettag $0x0;
	lr =	simm.s32 $0x1  }
0x2: {  	[smem:$0x3F91] =	sst lr;
	_ =	strace $0xD0000000  }
0x3: {  	_ = 	snop  }
0x4: {  	_ = 	snop  }
0x5: {  	_ = 	snop  }
0x6: {  	_ = 	snop  }
0x7: {  	_ = 	snop  }
__scs_overlays_trampoline_lowered:
0x8: {  	[smem:$0x3FA0] =	sst s0  }
0x9: {  	[smem:$0x3FA1] =	sst s1  }
0xa: {  	[smem:$0x3FA2] =	sst s2  }
0xb: {  	[smem:$0x3FA3] =	sst s3  }
0xc: {  	[smem:$0x3FA4] =	sst s4  }
0xd: {  	[smem:$0x3FA5] =	sst s5  }
0xe: {  	[smem:$0x3FA6] =	sst s6  }
0xf: {  	[smem:$0x3FA7] =	sst s7  }
0x10: {  	[smem:$0x3FA8] =	sst s8  }
0x11: {  	[smem:$0x3FA9] =	sst s9;
	s0 =	simm.s32 @!p0 $0x0  }
0x12: {  	s1 =	sld [smem:$0x3F8F];
	s0 =	simm.s32 @p0 $0x1  }
0x13: {  	[smem:$0x3FAA] =	sst s0;
	s0 =	simm.s32 @!p1 $0x0  }
0x14: {  	s2 =	sld [smem:$0x3F8E];
	s0 =	simm.s32 @p1 $0x1  }
0x15: {  	[smem:$0x3FAB] =	sst s0;
	s0 =	simm.s32 @!p2 $0x0  }
0x16: {  	s3 =	sld [smem:$0x3FDB];
	s0 =	simm.s32 @p2 $0x1  }
0x17: {  	s4 =	simm.s32 $0x1BF5;
	[smem:$0x3FAD] =	sst s0  }
0x18: {  	s0 =	sld [smem:$0x3F90];
	_ =	swait.ge [sflag:s4], $0x0  }
0x19: {  	s7 =	sld [smem:$0x3F91]  }
0x1a: {  	s8 =	sadd.s32 $0xFFFFE003, lr  }
0x1b: {  	s9 =	sadd.s32 $0xFFFFFEF7, lr;
	s5 =	simm.s32 $0xFFFFFFFF;
	p2 =	slt.u32 s8, $0xFFFFF086  }
0x1c: {  	p1 =	slt.u32 s9, $0xF7A;
	s5 =	simm.s32 @!p2 $0x0  }
0x1d: {  	s5 =	simm.s32 @p1 $0x1;
	p0 =	seq.s32 s7, s2  }
0x1e: {  	s7 =	smul.u32 @!p0 $0xF7A, s2;
	p2 =	seq.s32 @!p0 s5, $0x0  }
0x1f: {  	s9 =	smul.u32 $0xF7A, s1;
	s8 =	simm.s32 @!p0 $0x1BF5;
	p2 =	por !p2, p0  }
0x20: {  	[sflag:s8] =	ssyncset.s32 @!p0 $0xFFFFF086;
	s6 =	sadd.s32 @!p0 s3, s7;
	s7 =	simm.s32 @!p0 $0x108  }
0x21: {  	s3 =	sadd.s32 s3, s9;
	s6 =	sadd.s32 @!p0 $0x88, s6;
	s7 =	simm.s32 @p2 $0x1082  }
0x22: {  	[simem:s7], [sflag:s8] =	dma.local @!p0 [hbm:s6], $0xF7A  }
0x23: {  	s9 =	sor.u32 $0xD0000000, s2;
	s6 =	simm.s32 $0x108;
	_ =	swait.ge @!p0 [sflag:s8], $0x0  }
0x24: {  	s3 =	sadd.s32 $0x88, s3;
	s6 =	simm.s32 @!p1 $0x1082;
	[sflag:s4] =	ssyncset.s32 $0xFFFFF086  }
0x25: {  	[simem:s6], [sflag:s4] =	dma.local [hbm:s3], $0xF7A  }
0x26: {  	[smem:$0x3F91] =	sst s1;
	(tag) =	ssettag s2;
	_ =	strace s9  }
0x27: {  	s1 =	sld [smem:$0x3FA1]  }
0x28: {  	s2 =	sld [smem:$0x3FA2]  }
0x29: {  	s4 =	sld [smem:$0x3FA4]  }
0x2a: {  	p0 =	seq.s32 s5, $0x0;
	s5 =	sld [smem:$0x3FA5]  }
0x2b: {  	s6 =	sld [smem:$0x3FA6]  }
0x2c: {  	s7 =	sld [smem:$0x3FA7]  }
0x2d: {  	s3 =	simm.s32 $0x108;
	s8 =	sld [smem:$0x3FA8]  }
0x2e: {  	s3 =	simm.s32 @!p0 $0x1082;
	s9 =	sld [smem:$0x3FA9]  }
0x2f: {  	lr =	sadd.s32 s0, s3;
	s0 =	sld [smem:$0x3FA0]  }
0x30: {  	s3 =	sld [smem:$0x3FA3]  }
0x31: {  	[smem:$0x3FAC] =	sst s10  }
0x32: {  	s10 =	sld [smem:$0x3FAA];
	_ =	sdelay $0x3  }
0x33: {  	p0 =	seq.s32 s10, $0x1;
	s10 =	sld [smem:$0x3FAC];
	_ =	sdelay $0x3  }
0x34: {  	[smem:$0x3FAC] =	sst s10  }
0x35: {  	s10 =	sld [smem:$0x3FAB];
	_ =	sdelay $0x3  }
0x36: {  	p1 =	seq.s32 s10, $0x1;
	s10 =	sld [smem:$0x3FAC];
	_ =	sdelay $0x3  }
0x37: {  	[smem:$0x3FAC] =	sst s10  }
0x38: {  	s10 =	sld [smem:$0x3FAD]  }
0x39: {  	_ = 	snop;
	(pc) =	sbr.ind lr, $3  }
0x3a: {  	_ = 	snop  }
0x3b: {  	_ = 	snop  }
0x3c: {  	p2 =	seq.s32 s10, $0x1;
	s10 =	sld [smem:$0x3FAC]  }
0x3d: {  	_ =	shalt  }
0x3e: {  	_ =	shalt  }
0x3f: {  	_ =	shalt  }
0x40: {  	_ =	shalt  }
0x41: {  	_ =	shalt  }
0x42: {  	_ =	shalt  }
0x43: {  	_ =	shalt  }
0x44: {  	_ =	shalt  }
0x45: {  	_ =	shalt  }
0x46: {  	_ =	shalt  }
0x47: {  	_ =	shalt  }
0x48: {  	_ =	shalt  }
0x49: {  	_ =	shalt  }
0x4a: {  	_ =	shalt  }
0x4b: {  	_ =	shalt  }
0x4c: {  	_ =	shalt  }
0x4d: {  	_ =	shalt  }
0x4e: {  	_ =	shalt  }
0x4f: {  	_ =	shalt  }
0x50: {  	_ =	shalt  }
0x51: {  	_ =	shalt  }
0x52: {  	_ =	shalt  }
0x53: {  	_ =	shalt  }
0x54: {  	_ =	shalt  }
0x55: {  	_ =	shalt  }
0x56: {  	_ =	shalt  }
0x57: {  	_ =	shalt  }
0x58: {  	_ =	shalt  }
0x59: {  	_ =	shalt  }
0x5a: {  	_ =	shalt  }
0x5b: {  	_ =	shalt  }
0x5c: {  	_ =	shalt  }
0x5d: {  	_ =	shalt  }
0x5e: {  	_ =	shalt  }
0x5f: {  	_ =	shalt  }
0x60: {  	_ =	shalt  }
0x61: {  	_ =	shalt  }
0x62: {  	_ =	shalt  }
0x63: {  	_ =	shalt  }
0x64: {  	_ =	shalt  }
0x65: {  	_ =	shalt  }
0x66: {  	_ =	shalt  }
0x67: {  	_ =	shalt  }
0x68: {  	_ =	shalt  }
0x69: {  	_ =	shalt  }
0x6a: {  	_ =	shalt  }
0x6b: {  	_ =	shalt  }
0x6c: {  	_ =	shalt  }
0x6d: {  	_ =	shalt  }
0x6e: {  	_ =	shalt  }
0x6f: {  	_ =	shalt  }
0x70: {  	_ =	shalt  }
0x71: {  	_ =	shalt  }
0x72: {  	_ =	shalt  }
0x73: {  	_ =	shalt  }
0x74: {  	_ =	shalt  }
0x75: {  	_ =	shalt  }
0x76: {  	_ =	shalt  }
0x77: {  	_ =	shalt  }
0x78: {  	_ =	shalt  }
0x79: {  	_ =	shalt  }
0x7a: {  	_ =	shalt  }
0x7b: {  	_ =	shalt  }
0x7c: {  	_ =	shalt  }
0x7d: {  	_ =	shalt  }
0x7e: {  	_ =	shalt  }
0x7f: {  	_ =	shalt  }
0x80: {  	_ =	shalt  }
0x81: {  	_ =	shalt  }
0x82: {  	_ =	shalt  }
0x83: {  	_ =	shalt  }
0x84: {  	_ =	shalt  }
0x85: {  	_ =	shalt  }
0x86: {  	_ =	shalt  }
0x87: {  	_ =	shalt  }
.Lfunc_end0:
.L_simem_size_0:
called_computation_lowered:
.L_overlay_start_0:
0x88: {  	s2 =	sld [smem:$0x3FD9]  }
0x89: {  	s3 =	sld [smem:$0x3FFE];
	_ =	sdelay $0x1  }
0x8a: {  	s1 =	srdreg.scid  }
0x8b: {  	s0 =	sand.u32 $0x1, s1  }
0x8c: {  	s17 =	sshll.u32 s0, $0xA;
	s2 =	sadd.s32 s3, s2  }
0x8d: {  	s2 =	sadd.s32 s2, s17  }
0x8e: {  	[smem:$0x3FB8] =	sst s2  }
0x8f: {  	_ = 	snop  }
0x90: {  	s2 =	sld [smem:$0x3FD0];
	(tm) =	ssettm $0x1  }
0x91: {  	s18 =	sld [smem:$0x3FFB];
	_ =	sdelay $0x3  }
0x92: {  	_ =	strace s18  }
0x93: {  	s3 =	sld [smem:$0x3FFC];
	_ =	sdelay $0x3  }
0x94: {  	_ =	strace s3  }
0x95: {  	s3 =	sld [smem:$0x3FFD];
	_ =	sdelay $0x3  }
0x96: {  	_ =	strace s3  }
0x97: {  	_ =	strace $0x8FFFFFFF  }
0x98: {  	s19 =	sld [smem:$0x3FDB];
	_ =	sdelay $0x1  }
0x99: {  	s4 =	simm.s32 $_scs_section_size  }
0x9a: {  	s5 =	simm.s32 $_size__tile_overlayer_lowered;
	s6 =	simm.s32 $_tile_overlayer_lowered  }
0x9b: {  	s22 =	simm.s32 $0x1BFF;
	s21 =	sshll.u32 s6, $0x1;
	s3 =	sadd.s32 s4, s19  }
0x9c: {  	s7 =	simm.s32 $0x0;
	s20 =	sshll.u32 s5, $0x1;
	s5 =	sadd.s32 s21, s3  }
0x9d: {  	[timem:s7], [sflag:s22] =	dma.local [hbm:s5], s20  }
0x9e: {  	_ =	swait.ge [sflag:s22], s20  }
0x9f: {  	s4 =	ssub.s32 $0x0, s20;
	[sflag:s22] =	ssyncset.done $0x0  }
0xa0: {  	[sflag:s22] =	ssyncadd.s32 s4;
	_ =	sdelay $0x1  }
0xa1: {  	s23 =	simm.s32 $0x1B8B  }
0xa2: {  	_ =	swait.ge [sflag:s23], $0x1  }
0xa3: {  	[sflag:s23] =	ssyncset.done $0x0  }
0xa4: {  	s25 =	simm.s32 $0x1B8E;
	s24 =	sld [smem:$0x3FFE];
	[sflag:s23] =	ssyncadd.s32 $0xFFFFFFFF  }
0xa5: {  	s26 =	simm.s32 $execute0_lowered;
	[smem:$0x3FD2] =	sst s25  }
0xa6: {  	s5 =	sshll.u32 s26, $0x1;
	_ =	strace $0x80000046;
	[dreg:$0x1] =	wrdreg $0xFFFFFFFF  }
0xa7: {  	s28 =	simm.s32 $_size_execute0_lowered;
	s3 =	sadd.s32 s3, s5;
	[dreg:$0x0] =	wrdreg $0x0  }
0xa8: {  	s5 =	sshll.u32 s28, $0x1;
	[dreg:$0x2] =	wrdreg s3  }
0xa9: {  	[dreg:$0x3] =	wrdreg s5  }
0xaa: {  	[dreg:$0x4] =	wrdreg $0xC0  }
0xab: {  	_ =	task [dreg:s7], $0x5FFFF  }
0xac: {  	[dreg:$0x1] =	wrdreg $0xFFFFFFFF  }
0xad: {  	[dreg:$0x0] =	wrdreg $0x60  }
0xae: {  	[dreg:$0x2] =	wrdreg s24  }
0xaf: {  	[dreg:$0x3] =	wrdreg s2  }
0xb0: {  	[dreg:$0x4] =	wrdreg $0x0  }
0xb1: {  	[dreg:$0x5] =	wrdreg $0x9  }
0xb2: {  	_ =	task.clear_ibuf [dreg:s7], $0x6FFFF;
	_ =	strace $0x90000046  }
0xb3: {  	s29 =	simm.s32 $0x9;
	_ =	strace $0x80000048  }
0xb4: {  	_ =	swait.ge [sflag:s29], $0x1  }
0xb5: {  	[sflag:s29] =	ssyncadd.s32 $0xFFFFFFFF  }
0xb6: {  	_ =	strace $0x90000048  }
0xb7: {  	_ =	sfence  }
0xb8: {  	s30 =	sld [smem:$0x0];
	_ =	sdelay $0x2  }
0xb9: {  	s31 =	sshll.u32 s1, $0xD;
	s1 =	sshrl.u32 s1, $0x2  }
0xba: {  	s3 =	sand.u32 $0x4000, s31;
	s1 =	sadd.s32 s1, s30  }
0xbb: {  	s0 =	sor.u32 s3, s0;
	s1 =	sshll.u32 s1, $0x11  }
0xbc: {  	s0 =	sor.u32 s1, s0  }
0xbd: {  	s0 =	sadd.s32 $0x8F2B, s0  }
0xbe: {  	[sflag:s0] =	ssyncadd.remote.s32 $0x1  }
0xbf: {  	_ =	sfence.sel $0xFFFF  }
0xc0: {  	[dreg:$0x0] =	wrdreg $0xFFFFFFFF;
	(pc) =	sbr.abs _section_cstart, $3  }
0xc1: {  	[dreg:$0x1] =	wrdreg $0xFFFFFFFF  }
0xc2: {  	_ =	task.clear_ibuf [dreg:s7], $0x2FFFF;
	_ =	strace $0x9FFFFFFF  }
0xc3: {  	(tm) =	ssettm $0x7FFFFFFF  }
tec
execute0_lowered:
.L_overlay_start_1:
0x0: {  	(tag) =	ssettag $0x1  }
0x1: {  	s5 =	rddreg [dreg:$0x0]  }
0x2: {  	s7 =	rddreg [dreg:$0x1]  }
0x3: {  	s0 =	srdreg.scid;
	s2 =	rddreg [dreg:$0x2]  }
0x4: {  	s1 =	rddreg [dreg:$0x3];
	s3 =	simm.s32 $0x0;
	s6 =	sand.u32 $0x1, s0  }
0x5: {  	s14 =	simm.s32 $0x3E8;
	s0 =	stileid.u32;
	s4 =	smul.u32 $0x61A80, s6  }
0x6: {  	s15 =	simm.s32 $0x0;
	[smem:$0x7FF] =	sst s3;
	s8 =	smul.u32 $0x61A8, s0  }
0x7: {  	s29 =	smul.u32 $0xC38, s6;
	_ =	strace $0x80000047;
	s10 =	ssub.s32 $0x2, s6  }
0x8: {  	s12 =	smul.u32 $0x61C0, s0;
	p0 =	seq.s32 s6, $0x1;
	s31 =	sshll.u32 s0, $0x6  }
0x9: {  	s11 =	sshrl.u32 s10, $0x1;
	s4 =	sadd.s32 s8, s4;
	s8 =	sadd.s32 s29, s5  }
0xa: {  	s10 =	ssub.s32 s10, s11;
	s13 =	sadd.s32 s12, s2;
	s30 =	sshrl.u32 s12, $0x3  }
0xb: {  	s11 =	sor.u32 $0x1C01, s31;
	s4 =	sadd.s32 $0xC3500, s4;
	s6 =	smax.u32 s10, $0x1  }
0xc: {  	s10 =	simm.s32 $0x1;
	s12 =	sshrl.u32 s13, $0x3;
	s4 =	sshrl.u32 s4, $0x3  }
0xd: {  	s9 =	sadd.s32 s4, s5;
	s4 =	sadd.s32 $0x35E00, s5;
	s5 =	sadd.s32 $0x36200, s5  }
0xe: {  	s13 =	simm.s32 $0xC38;
	s7 =	smov.u32 @p0 s5;
	s5 =	sadd.s32 $0x34400, s8  }
0xf: {  	s8 =	sadd.s32 $0x3600, s9;
	s9 =	simm.s32 $0x1020;
	s7 =	sadd.s32 s7, s30  }
.LBB2_1:
0x10: {  	[tilespmem:s9], [sflag:$0x1] =	stream.linear.gather [hbm4b:s4+s3], $0x1F40, $0x38;
	[tilespmem:$0x2F60] =	vst v63  }
0x11: {  	_ =	swait.ge [sflag:s10], $0x1F40  }
0x12: {  	[sflag:s10] =	ssyncset.done $0x0  }
0x13: {  	[sflag:s10] =	ssyncadd.s32 $0xFFFFE0C0  }
0x14: {  	[spmem:s12], [sflag:s11] =	dma.local [hbm:s5], $0xC38  }
0x15: {  	_ =	swait.ge [sflag:s10], $0xC38  }
0x16: {  	[sflag:s10] =	ssyncset.done $0x0  }
0x17: {  	[sflag:s10] =	ssyncadd.s32 $0xFFFFF3C8  }
0x18: {  	s16 =	sadd.s32 $0x0, s8;
	[bflag:$0x0] =	sbarrier.arrive $0xFFFF  }
0x19: {  	[tilespmem:s13], [sflag:$0x1] =	stream.linear.gather [hbm4b:s16+s3], $0x3E8, $0x38;
	[tilespmem:$0x2F60] =	vst v63  }
0x1a: {  	_ =	swait.ge [sflag:s10], $0x3E8  }
0x1b: {  	[sflag:s10] =	ssyncset.done $0x0  }
0x1c: {  	[sflag:s10] =	ssyncadd.s32 $0xFFFFFC18  }
0x1d: {  	[spmem:s2] =	stream.indirect.scatter.add.f32 [tilespmem:s9], [sflag:$0x1], $0x1, s13, s14, $0xb8;
	[tilespmem:$0x2F60] =	vst v63  }
0x1e: {  	_ =	swait.ge [sflag:s10], $0x3E8  }
0x1f: {  	s17 =	simm.s32 $0xFA;
	s16 =	simm.s32 $0x7D;
	[sflag:s10] =	ssyncset.done $0x0  }
.LBB2_2:
0x20: {  	s18 =	sadd.s32 s16, s8  }
0x21: {  	[sflag:s10] =	ssyncadd.s32 $0xFFFFFC18;
	s16 =	smov.u32 s17;
	s19 =	sadd.s32 $0x7D, s17  }
0x22: {  	[tilespmem:s13], [sflag:$0x1] =	stream.linear.gather [hbm4b:s18+s3], $0x3E8, $0x38;
	[tilespmem:$0x2F60] =	vst v63  }
0x23: {  	p0 =	sne.s32 s17, $0xBB8;
	_ =	swait.ge [sflag:s10], $0x3E8  }
.Ltmp0:
0x24: {  	[sflag:s10] =	ssyncset.done $0x0;
	(pc) =	sbr.rel @p0 .LBB2_2-.Ltmp0, $4  }
0x25: {  	[sflag:s10] =	ssyncadd.s32 $0xFFFFFC18  }
0x26: {  	[spmem:s2] =	stream.indirect.scatter.add.f32 [tilespmem:s9], [sflag:$0x1], $0x1, s13, s14, $0xb8;
	[tilespmem:$0x2F60] =	vst v63  }
0x27: {  	_ =	swait.ge [sflag:s10], $0x3E8  }
0x28: {  	s17 =	smov.u32 s19;
	[sflag:s10] =	ssyncset.done $0x0  }
0x29: {  	s16 =	sadd.s32 s16, s8;
	[sflag:s10] =	ssyncadd.s32 $0xFFFFFC18  }
0x2a: {  	[tilespmem:s13], [sflag:$0x1] =	stream.linear.gather [hbm4b:s16+s3], $0x3E8, $0x38;
	[tilespmem:$0x2F60] =	vst v63  }
0x2b: {  	_ =	swait.ge [sflag:s10], $0x3E8  }
0x2c: {  	[sflag:s10] =	ssyncset.done $0x0  }
0x2d: {  	[sflag:s10] =	ssyncadd.s32 $0xFFFFFC18  }
0x2e: {  	[spmem:s2] =	stream.indirect.scatter.add.f32 [tilespmem:s9], [sflag:$0x1], $0x1, s13, s14, $0xb8;
	[tilespmem:$0x2F60] =	vst v63  }
0x2f: {  	_ =	swait.ge [sflag:s10], $0x3E8  }
0x30: {  	s15 =	sadd.s32 $0x1, s15;
	[sflag:s10] =	ssyncset.done $0x0  }
0x31: {  	p0 =	sne.s32 s15, s6;
	[sflag:s10] =	ssyncadd.s32 $0xFFFFFC18  }
.Ltmp1:
0x32: {  	[bflag:$0x0] =	sbarrier.arrive $0xFFFF;
	(pc) =	sbr.rel @p0 .LBB2_1-.Ltmp1, $4  }
0x33: {  	[hbm:s7], [sflag:s11] =	dma.local [spmem:s12], $0xC38  }
0x34: {  	_ =	swait.ge [sflag:s10], $0xC38  }
0x35: {  	[sflag:s10] =	ssyncset.done $0x0  }
0x36: {  	[sflag:s10] =	ssyncadd.s32 $0xFFFFF3C8  }
0x37: {  	_ =	sfence.sel $0x180000  }
0x38: {  	[bflag:$0x0] =	sbarrier.arrive $0xFFFF  }
0x39: {  	p0 =	sne.s32 s0, $0x0;
	_ =	strace $0x90000047  }
0x3a: {  	s0 =	sadd.s32 @!p0 $0x100000, s1;
	[bflag:$0x2] =	sbarrier.arrive $0xFFFF  }
0x3b: {  	[sflag:s0] =	ssyncadd.tile.s32 @!p0 $0x1;
	_ =	shalt  }
.Lfunc_end2:
_tile_overlayer_lowered:
.L_overlay_start_2:
0x3c: {  	(tag) =	ssettag $0x2  }
0x3d: {  	s0 =	rddreg [dreg:$0x0];
	s2 =	stileid.u32  }
0x3e: {  	s1 =	rddreg [dreg:$0x1];
	p0 =	sne.s32 s2, $0x0  }
0x3f: {  	s3 =	rddreg [dreg:$0x2];
	[bflag:$0x3] =	sbarrier.arrive $0xFFFF;
	s2 =	simm.s32 @!p0 $0x1C01  }
0x40: {  	[timem:s3], [sflag:s2] =	dma.local @!p0 [hbm:s0], s1  }
0x41: {  	s0 =	simm.s32 @!p0 $0x1  }
0x42: {  	_ =	swait.ge @!p0 [sflag:s0], s1  }
0x43: {  	s1 =	ssub.s32 @!p0 $0x0, s1;
	[sflag:s0] =	ssyncset.done @!p0 $0x0  }
0x44: {  	[sflag:s0] =	ssyncadd.s32 @!p0 s1  }
0x45: {  	[bflag:$0x3] =	sbarrier.arrive $0xFFFF  }
0x46: {  	_ =	shalt  }

</sc_bundles>
